<compile_context>
chip_gen: v7x
topology: tpu7x:2x2x1
jax: 0.10.2.dev20260603
libtpu: 0.0.44.dev20260713+nightly
codegen_flags: <defaults>
</compile_context>

<pallas_src>
import functools

import jax
import jax.numpy as jnp
from jax import lax
from jax.experimental import pallas as pl
from jax.experimental.pallas import tpu as pltpu
from jax.experimental.pallas import tpu_sc as plsc

D = 64
HIST = 50
BATCH = 16384
VOCAB = 1000000
NC = 2
NS = 16
NW = NC * NS
IPW = BATCH // NW
CH = 8
L = CH * HIST
NCHUNK = IPW // CH
NBUF = 2
NGRP = NCHUNK // NBUF

RB = 8192
HALF = RB // 2
PBLK = -(-VOCAB // RB)
PROWS = PBLK * HALF


def _relayout_body(wt_ref, out_ref):
    y = wt_ref[...].T
    out_ref[:, :D] = y[:HALF]
    out_ref[:, D:] = y[HALF:]


_relayout = pl.pallas_call(
    _relayout_body,
    grid=(PBLK,),
    in_specs=[pl.BlockSpec((D, RB), lambda j: (0, j))],
    out_specs=pl.BlockSpec((HALF, 2 * D), lambda j: (j, 0)),
    out_shape=jax.ShapeDtypeStruct((PROWS, 2 * D), jnp.float32),
)


@functools.partial(
    pl.kernel,
    out_type=jax.ShapeDtypeStruct((BATCH, HIST, D), jnp.float32),
    mesh=plsc.VectorSubcoreMesh(core_axis_name="c", subcore_axis_name="s"),
    compiler_params=pltpu.CompilerParams(use_tc_tiling_on_sc=False),
    scratch_types=(
        [pltpu.VMEM((NCHUNK, L), jnp.int32)]
        + [pltpu.VMEM((L, D), jnp.float32) for _ in range(NBUF)]
        + [pltpu.SemaphoreType.DMA for _ in range(2 * NBUF)]
    ),
)
def _emb_lookup(idx_hbm, table_hbm, out_hbm, idx_v, *bufs):
    rows = bufs[:NBUF]
    gsem = bufs[NBUF:2 * NBUF]
    wsem = bufs[2 * NBUF:]
    wid = lax.axis_index("s") * NC + lax.axis_index("c")
    ibase = wid * IPW
    pltpu.sync_copy(idx_hbm.at[wid], idx_v)

    def gdesc(c, b):
        return table_hbm.at[idx_v.at[c]], rows[b]

    def wdescs(c, b):
        return [(rows[b].at[pl.ds(m * HIST, HIST)],
                 out_hbm.at[ibase + c * CH + m]) for m in range(CH)]

    for b in range(NBUF):
        src, dst = gdesc(b, b)
        pltpu.async_copy(src, dst, gsem[b])

    def grp_body(grp, carry):
        for b in range(NBUF):
            c = grp * NBUF + b
            gs, gd = gdesc(c, b)
            pltpu.make_async_copy(gs, gd, gsem[b]).wait()
            wpairs = wdescs(c, b)
            for ws, wd in wpairs:
                pltpu.async_copy(ws, wd, wsem[b])

            @pl.when(grp < NGRP - 1)
            def _():
                for ws, wd in wpairs:
                    pltpu.make_async_copy(ws, wd, wsem[b]).wait()
                ns, nd = gdesc(c + NBUF, b)
                pltpu.async_copy(ns, nd, gsem[b])

        return carry

    lax.fori_loop(0, NGRP, grp_body, 0)

    for b in range(NBUF):
        for ws, wd in wdescs(NCHUNK - NBUF + b, b):
            pltpu.make_async_copy(ws, wd, wsem[b]).wait()


def kernel(input_ids, weight):
    table = _relayout(weight.T).reshape(2 * PROWS, D)
    idx = input_ids.astype(jnp.int32)
    o = idx % RB
    idx = idx - o + 2 * (o % HALF) + o // HALF
    idx = idx.reshape(NW, NCHUNK, L)
    return _emb_lookup(idx, table)

# --- scband reference (transcript-rebuilt; emitter-appended) ---
"""Pipeline reference for scband-embedding-layer-15848429323011 (READ-ONLY COPY).

The authoritative reference and input builder live on the scoring server;
editing this copy changes nothing except your own understanding.
"""

import jax, jax.numpy as jnp
import numpy as np

VOCAB = 1000000
EMBED_DIM = 64
BATCH = 16384
HIST = 50

def setup_inputs(seed: int = 0) -> dict:
    key = jax.random.key(seed)
    k_idx, k_w = jax.random.split(key)
    input_ids = jax.random.randint(k_idx, (BATCH, HIST), 0, VOCAB, dtype=jnp.int64 if jax.config.jax_enable_x64 else jnp.int32)
    weight = jax.random.normal(k_w, (VOCAB, EMBED_DIM), dtype=jnp.float32)
    return {"input_ids": input_ids, "weight": weight}

def reference(input_ids, weight):
    # nn.Embedding forward: gather rows of the table by index
    return jnp.take(weight, input_ids, axis=0)

if __name__ == "__main__":
    import jax
    _d = setup_inputs()
    print(jax.jit(kernel)(*tuple(_d.values())))

</pallas_src>

<mosaic_0001>
#map = affine_map<(d0, d1) -> (0, 0, 0)>
#map1 = affine_map<(d0, d1) -> (0, 0)>
module attributes {stable_mosaic.version = 14 : i64} {
  func.func @_emb_lookup(%arg0: i32, %arg1: i32, %arg2: memref<32x64x400xi32, #tpu.memory_space<hbm>>, %arg3: memref<1007616x64xf32, #tpu.memory_space<hbm>>, %arg4: memref<16384x50x64xf32, #tpu.memory_space<hbm>>, %arg5: memref<64x400xi32, #tpu.memory_space<vmem>>, %arg6: memref<400x64xf32, #tpu.memory_space<vmem>>, %arg7: memref<400x64xf32, #tpu.memory_space<vmem>>, %arg8: memref<!tpu.dma_semaphore, #tpu.memory_space<semaphore_mem>>, %arg9: memref<!tpu.dma_semaphore, #tpu.memory_space<semaphore_mem>>, %arg10: memref<!tpu.dma_semaphore, #tpu.memory_space<semaphore_mem>>, %arg11: memref<!tpu.dma_semaphore, #tpu.memory_space<semaphore_mem>>) attributes {dimension_semantics = [#tpu.dimension_semantics<core_parallel>, #tpu.dimension_semantics<subcore_parallel>], iteration_bounds = array<i64: 2, 16>, scalar_prefetch = 0 : i64, scratch_operands = 7 : i64, tpu.core_type = #tpu.core_type<sc_vector_subcore>, window_params = [{transform_indices = #map}, {transform_indices = #map1}, {transform_indices = #map}]} {
    %mul3A = arith.constant 2 : i32
    %mul3A_0 = arith.muli %arg1, %mul3A : i32
    %add3A = arith.addi %mul3A_0, %arg0 : i32
    %mul3A_1 = arith.constant 512 : i32
    %mul3A_2 = arith.muli %add3A, %mul3A_1 : i32
    "tpu.region"() ({
      %run_scoped3A = tpu.sem_alloc : memref<!tpu.dma_semaphore, #tpu.memory_space<semaphore_mem>>
      %dma_start3A_308 = arith.constant 0 : i32
      %dma_start3A_309 = arith.constant 0 : i32
      %dma_start3A_310 = tpu.memref_slice %arg2[%add3A, %dma_start3A_308, %dma_start3A_309] : memref<32x64x400xi32, #tpu.memory_space<hbm>> -> memref<1x64x400xi32, #tpu.memory_space<hbm>>
      %dma_start3A_311 = tpu.memref_squeeze %dma_start3A_310 : memref<1x64x400xi32, #tpu.memory_space<hbm>> -> memref<64x400xi32, #tpu.memory_space<hbm>>
      %dma_start3A_312 = arith.constant 0 : i32
      %dma_start3A_313 = arith.constant 0 : i32
      %dma_start3A_314 = tpu.memref_slice %arg2[%add3A, %dma_start3A_312, %dma_start3A_313] : memref<32x64x400xi32, #tpu.memory_space<hbm>> -> memref<1x64x400xi32, #tpu.memory_space<hbm>>
      %dma_start3A_315 = tpu.memref_squeeze %dma_start3A_314 : memref<1x64x400xi32, #tpu.memory_space<hbm>> -> memref<64x400xi32, #tpu.memory_space<hbm>>
      tpu.enqueue_dma source(%dma_start3A_315 : memref<64x400xi32, #tpu.memory_space<hbm>>) target(%arg5 : memref<64x400xi32, #tpu.memory_space<vmem>>) target_semaphore(%run_scoped3A : memref<!tpu.dma_semaphore, #tpu.memory_space<semaphore_mem>>)
      %dma_wait3A_316 = arith.constant 0 : i32
      %dma_wait3A_317 = arith.constant 0 : i32
      %dma_wait3A_318 = tpu.memref_slice %arg2[%add3A, %dma_wait3A_316, %dma_wait3A_317] : memref<32x64x400xi32, #tpu.memory_space<hbm>> -> memref<1x64x400xi32, #tpu.memory_space<hbm>>
      %dma_wait3A_319 = tpu.memref_squeeze %dma_wait3A_318 : memref<1x64x400xi32, #tpu.memory_space<hbm>> -> memref<64x400xi32, #tpu.memory_space<hbm>>
      %dma_wait3A_320 = arith.constant 0 : i32
      %dma_wait3A_321 = arith.constant 0 : i32
      %dma_wait3A_322 = tpu.memref_slice %arg2[%add3A, %dma_wait3A_320, %dma_wait3A_321] : memref<32x64x400xi32, #tpu.memory_space<hbm>> -> memref<1x64x400xi32, #tpu.memory_space<hbm>>
      %dma_wait3A_323 = tpu.memref_squeeze %dma_wait3A_322 : memref<1x64x400xi32, #tpu.memory_space<hbm>> -> memref<64x400xi32, #tpu.memory_space<hbm>>
      tpu.wait_dma2 semaphore(%run_scoped3A : memref<!tpu.dma_semaphore, #tpu.memory_space<semaphore_mem>>) src(%dma_wait3A_323 : memref<64x400xi32, #tpu.memory_space<hbm>>) dst(%arg5 : memref<64x400xi32, #tpu.memory_space<vmem>>)
      tpu.yield
    }) : () -> ()
    %dma_start3A = arith.constant 0 : i32
    %dma_start3A_3 = arith.constant 0 : i32
    %dma_start3A_4 = tpu.memref_slice %arg5[%dma_start3A, %dma_start3A_3] : memref<64x400xi32, #tpu.memory_space<vmem>> -> memref<1x400xi32, #tpu.memory_space<vmem>>
    %dma_start3A_5 = tpu.memref_squeeze %dma_start3A_4 : memref<1x400xi32, #tpu.memory_space<vmem>> -> memref<400xi32, #tpu.memory_space<vmem>>
    %dma_start3A_6 = arith.constant 0 : i32
    %dma_start3A_7 = arith.constant 0 : i32
    %dma_start3A_8 = tpu.memref_slice %arg3[%dma_start3A_6, %dma_start3A_7] : memref<1007616x64xf32, #tpu.memory_space<hbm>> -> memref<1007616x64xf32, #tpu.memory_space<hbm>>
    tpu.enqueue_indirect_dma source(%dma_start3A_8 : memref<1007616x64xf32, #tpu.memory_space<hbm>>) target(%arg6 : memref<400x64xf32, #tpu.memory_space<vmem>>) offsets(%dma_start3A_5 : memref<400xi32, #tpu.memory_space<vmem>>) semaphore(%arg8 : memref<!tpu.dma_semaphore, #tpu.memory_space<semaphore_mem>>)
    %dma_start3A_9 = arith.constant 1 : i32
    %dma_start3A_10 = arith.constant 0 : i32
    %dma_start3A_11 = tpu.memref_slice %arg5[%dma_start3A_9, %dma_start3A_10] : memref<64x400xi32, #tpu.memory_space<vmem>> -> memref<1x400xi32, #tpu.memory_space<vmem>>
    %dma_start3A_12 = tpu.memref_squeeze %dma_start3A_11 : memref<1x400xi32, #tpu.memory_space<vmem>> -> memref<400xi32, #tpu.memory_space<vmem>>
    %dma_start3A_13 = arith.constant 0 : i32
    %dma_start3A_14 = arith.constant 0 : i32
    %dma_start3A_15 = tpu.memref_slice %arg3[%dma_start3A_13, %dma_start3A_14] : memref<1007616x64xf32, #tpu.memory_space<hbm>> -> memref<1007616x64xf32, #tpu.memory_space<hbm>>
    tpu.enqueue_indirect_dma source(%dma_start3A_15 : memref<1007616x64xf32, #tpu.memory_space<hbm>>) target(%arg7 : memref<400x64xf32, #tpu.memory_space<vmem>>) offsets(%dma_start3A_12 : memref<400xi32, #tpu.memory_space<vmem>>) semaphore(%arg9 : memref<!tpu.dma_semaphore, #tpu.memory_space<semaphore_mem>>)
    %scan3A = arith.constant 0 : i32
    %scan3A_16 = arith.constant 0 : i32
    %scan3A_17 = arith.constant 32 : i32
    %scan3A_18 = arith.addi %scan3A_16, %scan3A_17 : i32
    %scan3A_19 = arith.constant 1 : i32
    scf.for %scan3A_308 = %scan3A_16 to %scan3A_18 step %scan3A_19  : i32 {
      %mul3A_309 = arith.constant 2 : i32
      %mul3A_310 = arith.muli %scan3A_308, %mul3A_309 : i32
      %add3A_311 = arith.constant 0 : i32
      %add3A_312 = arith.addi %mul3A_310, %add3A_311 : i32
      %dma_wait3A_313 = arith.constant 0 : i32
      %dma_wait3A_314 = tpu.memref_slice %arg5[%add3A_312, %dma_wait3A_313] : memref<64x400xi32, #tpu.memory_space<vmem>> -> memref<1x400xi32, #tpu.memory_space<vmem>>
      %dma_wait3A_315 = tpu.memref_squeeze %dma_wait3A_314 : memref<1x400xi32, #tpu.memory_space<vmem>> -> memref<400xi32, #tpu.memory_space<vmem>>
      %dma_wait3A_316 = arith.constant 0 : i32
      %dma_wait3A_317 = arith.constant 0 : i32
      %dma_wait3A_318 = tpu.memref_slice %arg3[%dma_wait3A_316, %dma_wait3A_317] : memref<1007616x64xf32, #tpu.memory_space<hbm>> -> memref<1007616x64xf32, #tpu.memory_space<hbm>>
      tpu.wait_indirect_dma semaphore(%arg8 : memref<!tpu.dma_semaphore, #tpu.memory_space<semaphore_mem>>) src(%dma_wait3A_318 : memref<1007616x64xf32, #tpu.memory_space<hbm>>) dst(%arg6 : memref<400x64xf32, #tpu.memory_space<vmem>>)
      %mul3A_319 = arith.constant 8 : i32
      %mul3A_320 = arith.muli %add3A_312, %mul3A_319 : i32
      %add3A_321 = arith.addi %mul3A_2, %mul3A_320 : i32
      %add3A_322 = arith.constant 0 : i32
      %add3A_323 = arith.addi %add3A_321, %add3A_322 : i32
      %mul3A_324 = arith.constant 8 : i32
      %mul3A_325 = arith.muli %add3A_312, %mul3A_324 : i32
      %add3A_326 = arith.addi %mul3A_2, %mul3A_325 : i32
      %add3A_327 = arith.constant 1 : i32
      %add3A_328 = arith.addi %add3A_326, %add3A_327 : i32
      %mul3A_329 = arith.constant 8 : i32
      %mul3A_330 = arith.muli %add3A_312, %mul3A_329 : i32
      %add3A_331 = arith.addi %mul3A_2, %mul3A_330 : i32
      %add3A_332 = arith.constant 2 : i32
      %add3A_333 = arith.addi %add3A_331, %add3A_332 : i32
      %mul3A_334 = arith.constant 8 : i32
      %mul3A_335 = arith.muli %add3A_312, %mul3A_334 : i32
      %add3A_336 = arith.addi %mul3A_2, %mul3A_335 : i32
      %add3A_337 = arith.constant 3 : i32
      %add3A_338 = arith.addi %add3A_336, %add3A_337 : i32
      %mul3A_339 = arith.constant 8 : i32
      %mul3A_340 = arith.muli %add3A_312, %mul3A_339 : i32
      %add3A_341 = arith.addi %mul3A_2, %mul3A_340 : i32
      %add3A_342 = arith.constant 4 : i32
      %add3A_343 = arith.addi %add3A_341, %add3A_342 : i32
      %mul3A_344 = arith.constant 8 : i32
      %mul3A_345 = arith.muli %add3A_312, %mul3A_344 : i32
      %add3A_346 = arith.addi %mul3A_2, %mul3A_345 : i32
      %add3A_347 = arith.constant 5 : i32
      %add3A_348 = arith.addi %add3A_346, %add3A_347 : i32
      %mul3A_349 = arith.constant 8 : i32
      %mul3A_350 = arith.muli %add3A_312, %mul3A_349 : i32
      %add3A_351 = arith.addi %mul3A_2, %mul3A_350 : i32
      %add3A_352 = arith.constant 6 : i32
      %add3A_353 = arith.addi %add3A_351, %add3A_352 : i32
      %mul3A_354 = arith.constant 8 : i32
      %mul3A_355 = arith.muli %add3A_312, %mul3A_354 : i32
      %add3A_356 = arith.addi %mul3A_2, %mul3A_355 : i32
      %add3A_357 = arith.constant 7 : i32
      %add3A_358 = arith.addi %add3A_356, %add3A_357 : i32
      %dma_start3A_359 = arith.constant 0 : i32
      %dma_start3A_360 = arith.constant 0 : i32
      %dma_start3A_361 = tpu.memref_slice %arg6[%dma_start3A_359, %dma_start3A_360] : memref<400x64xf32, #tpu.memory_space<vmem>> -> memref<50x64xf32, #tpu.memory_space<vmem>>
      %dma_start3A_362 = arith.constant 0 : i32
      %dma_start3A_363 = arith.constant 0 : i32
      %dma_start3A_364 = tpu.memref_slice %arg4[%add3A_323, %dma_start3A_362, %dma_start3A_363] : memref<16384x50x64xf32, #tpu.memory_space<hbm>> -> memref<1x50x64xf32, #tpu.memory_space<hbm>>
      %dma_start3A_365 = tpu.memref_squeeze %dma_start3A_364 : memref<1x50x64xf32, #tpu.memory_space<hbm>> -> memref<50x64xf32, #tpu.memory_space<hbm>>
      %dma_start3A_366 = arith.constant 0 : i32
      %dma_start3A_367 = arith.constant 0 : i32
      %dma_start3A_368 = tpu.memref_slice %arg4[%add3A_323, %dma_start3A_366, %dma_start3A_367] : memref<16384x50x64xf32, #tpu.memory_space<hbm>> -> memref<1x50x64xf32, #tpu.memory_space<hbm>>
      %dma_start3A_369 = tpu.memref_squeeze %dma_start3A_368 : memref<1x50x64xf32, #tpu.memory_space<hbm>> -> memref<50x64xf32, #tpu.memory_space<hbm>>
      %dma_start3A_370 = arith.constant 0 : i32
      %dma_start3A_371 = arith.constant 0 : i32
      %dma_start3A_372 = tpu.memref_slice %arg6[%dma_start3A_370, %dma_start3A_371] : memref<400x64xf32, #tpu.memory_space<vmem>> -> memref<50x64xf32, #tpu.memory_space<vmem>>
      tpu.enqueue_dma source(%dma_start3A_372 : memref<50x64xf32, #tpu.memory_space<vmem>>) target(%dma_start3A_369 : memref<50x64xf32, #tpu.memory_space<hbm>>) target_semaphore(%arg10 : memref<!tpu.dma_semaphore, #tpu.memory_space<semaphore_mem>>)
      %dma_start3A_373 = arith.constant 50 : i32
      %dma_start3A_374 = arith.constant 0 : i32
      %dma_start3A_375 = tpu.memref_slice %arg6[%dma_start3A_373, %dma_start3A_374] : memref<400x64xf32, #tpu.memory_space<vmem>> -> memref<50x64xf32, #tpu.memory_space<vmem>>
      %dma_start3A_376 = arith.constant 0 : i32
      %dma_start3A_377 = arith.constant 0 : i32
      %dma_start3A_378 = tpu.memref_slice %arg4[%add3A_328, %dma_start3A_376, %dma_start3A_377] : memref<16384x50x64xf32, #tpu.memory_space<hbm>> -> memref<1x50x64xf32, #tpu.memory_space<hbm>>
      %dma_start3A_379 = tpu.memref_squeeze %dma_start3A_378 : memref<1x50x64xf32, #tpu.memory_space<hbm>> -> memref<50x64xf32, #tpu.memory_space<hbm>>
      %dma_start3A_380 = arith.constant 0 : i32
      %dma_start3A_381 = arith.constant 0 : i32
      %dma_start3A_382 = tpu.memref_slice %arg4[%add3A_328, %dma_start3A_380, %dma_start3A_381] : memref<16384x50x64xf32, #tpu.memory_space<hbm>> -> memref<1x50x64xf32, #tpu.memory_space<hbm>>
      %dma_start3A_383 = tpu.memref_squeeze %dma_start3A_382 : memref<1x50x64xf32, #tpu.memory_space<hbm>> -> memref<50x64xf32, #tpu.memory_space<hbm>>
      %dma_start3A_384 = arith.constant 50 : i32
      %dma_start3A_385 = arith.constant 0 : i32
      %dma_start3A_386 = tpu.memref_slice %arg6[%dma_start3A_384, %dma_start3A_385] : memref<400x64xf32, #tpu.memory_space<vmem>> -> memref<50x64xf32, #tpu.memory_space<vmem>>
      tpu.enqueue_dma source(%dma_start3A_386 : memref<50x64xf32, #tpu.memory_space<vmem>>) target(%dma_start3A_383 : memref<50x64xf32, #tpu.memory_space<hbm>>) target_semaphore(%arg10 : memref<!tpu.dma_semaphore, #tpu.memory_space<semaphore_mem>>)
      %dma_start3A_387 = arith.constant 100 : i32
      %dma_start3A_388 = arith.constant 0 : i32
      %dma_start3A_389 = tpu.memref_slice %arg6[%dma_start3A_387, %dma_start3A_388] : memref<400x64xf32, #tpu.memory_space<vmem>> -> memref<50x64xf32, #tpu.memory_space<vmem>>
      %dma_start3A_390 = arith.constant 0 : i32
      %dma_start3A_391 = arith.constant 0 : i32
      %dma_start3A_392 = tpu.memref_slice %arg4[%add3A_333, %dma_start3A_390, %dma_start3A_391] : memref<16384x50x64xf32, #tpu.memory_space<hbm>> -> memref<1x50x64xf32, #tpu.memory_space<hbm>>
      %dma_start3A_393 = tpu.memref_squeeze %dma_start3A_392 : memref<1x50x64xf32, #tpu.memory_space<hbm>> -> memref<50x64xf32, #tpu.memory_space<hbm>>
      %dma_start3A_394 = arith.constant 0 : i32
      %dma_start3A_395 = arith.constant 0 : i32
      %dma_start3A_396 = tpu.memref_slice %arg4[%add3A_333, %dma_start3A_394, %dma_start3A_395] : memref<16384x50x64xf32, #tpu.memory_space<hbm>> -> memref<1x50x64xf32, #tpu.memory_space<hbm>>
      %dma_start3A_397 = tpu.memref_squeeze %dma_start3A_396 : memref<1x50x64xf32, #tpu.memory_space<hbm>> -> memref<50x64xf32, #tpu.memory_space<hbm>>
      %dma_start3A_398 = arith.constant 100 : i32
      %dma_start3A_399 = arith.constant 0 : i32
      %dma_start3A_400 = tpu.memref_slice %arg6[%dma_start3A_398, %dma_start3A_399] : memref<400x64xf32, #tpu.memory_space<vmem>> -> memref<50x64xf32, #tpu.memory_space<vmem>>
      tpu.enqueue_dma source(%dma_start3A_400 : memref<50x64xf32, #tpu.memory_space<vmem>>) target(%dma_start3A_397 : memref<50x64xf32, #tpu.memory_space<hbm>>) target_semaphore(%arg10 : memref<!tpu.dma_semaphore, #tpu.memory_space<semaphore_mem>>)
      %dma_start3A_401 = arith.constant 150 : i32
      %dma_start3A_402 = arith.constant 0 : i32
      %dma_start3A_403 = tpu.memref_slice %arg6[%dma_start3A_401, %dma_start3A_402] : memref<400x64xf32, #tpu.memory_space<vmem>> -> memref<50x64xf32, #tpu.memory_space<vmem>>
      %dma_start3A_404 = arith.constant 0 : i32
      %dma_start3A_405 = arith.constant 0 : i32
      %dma_start3A_406 = tpu.memref_slice %arg4[%add3A_338, %dma_start3A_404, %dma_start3A_405] : memref<16384x50x64xf32, #tpu.memory_space<hbm>> -> memref<1x50x64xf32, #tpu.memory_space<hbm>>
      %dma_start3A_407 = tpu.memref_squeeze %dma_start3A_406 : memref<1x50x64xf32, #tpu.memory_space<hbm>> -> memref<50x64xf32, #tpu.memory_space<hbm>>
      %dma_start3A_408 = arith.constant 0 : i32
      %dma_start3A_409 = arith.constant 0 : i32
      %dma_start3A_410 = tpu.memref_slice %arg4[%add3A_338, %dma_start3A_408, %dma_start3A_409] : memref<16384x50x64xf32, #tpu.memory_space<hbm>> -> memref<1x50x64xf32, #tpu.memory_space<hbm>>
      %dma_start3A_411 = tpu.memref_squeeze %dma_start3A_410 : memref<1x50x64xf32, #tpu.memory_space<hbm>> -> memref<50x64xf32, #tpu.memory_space<hbm>>
      %dma_start3A_412 = arith.constant 150 : i32
      %dma_start3A_413 = arith.constant 0 : i32
      %dma_start3A_414 = tpu.memref_slice %arg6[%dma_start3A_412, %dma_start3A_413] : memref<400x64xf32, #tpu.memory_space<vmem>> -> memref<50x64xf32, #tpu.memory_space<vmem>>
      tpu.enqueue_dma source(%dma_start3A_414 : memref<50x64xf32, #tpu.memory_space<vmem>>) target(%dma_start3A_411 : memref<50x64xf32, #tpu.memory_space<hbm>>) target_semaphore(%arg10 : memref<!tpu.dma_semaphore, #tpu.memory_space<semaphore_mem>>)
      %dma_start3A_415 = arith.constant 200 : i32
      %dma_start3A_416 = arith.constant 0 : i32
      %dma_start3A_417 = tpu.memref_slice %arg6[%dma_start3A_415, %dma_start3A_416] : memref<400x64xf32, #tpu.memory_space<vmem>> -> memref<50x64xf32, #tpu.memory_space<vmem>>
      %dma_start3A_418 = arith.constant 0 : i32
      %dma_start3A_419 = arith.constant 0 : i32
      %dma_start3A_420 = tpu.memref_slice %arg4[%add3A_343, %dma_start3A_418, %dma_start3A_419] : memref<16384x50x64xf32, #tpu.memory_space<hbm>> -> memref<1x50x64xf32, #tpu.memory_space<hbm>>
      %dma_start3A_421 = tpu.memref_squeeze %dma_start3A_420 : memref<1x50x64xf32, #tpu.memory_space<hbm>> -> memref<50x64xf32, #tpu.memory_space<hbm>>
      %dma_start3A_422 = arith.constant 0 : i32
      %dma_start3A_423 = arith.constant 0 : i32
      %dma_start3A_424 = tpu.memref_slice %arg4[%add3A_343, %dma_start3A_422, %dma_start3A_423] : memref<16384x50x64xf32, #tpu.memory_space<hbm>> -> memref<1x50x64xf32, #tpu.memory_space<hbm>>
      %dma_start3A_425 = tpu.memref_squeeze %dma_start3A_424 : memref<1x50x64xf32, #tpu.memory_space<hbm>> -> memref<50x64xf32, #tpu.memory_space<hbm>>
      %dma_start3A_426 = arith.constant 200 : i32
      %dma_start3A_427 = arith.constant 0 : i32
      %dma_start3A_428 = tpu.memref_slice %arg6[%dma_start3A_426, %dma_start3A_427] : memref<400x64xf32, #tpu.memory_space<vmem>> -> memref<50x64xf32, #tpu.memory_space<vmem>>
      tpu.enqueue_dma source(%dma_start3A_428 : memref<50x64xf32, #tpu.memory_space<vmem>>) target(%dma_start3A_425 : memref<50x64xf32, #tpu.memory_space<hbm>>) target_semaphore(%arg10 : memref<!tpu.dma_semaphore, #tpu.memory_space<semaphore_mem>>)
      %dma_start3A_429 = arith.constant 250 : i32
      %dma_start3A_430 = arith.constant 0 : i32
      %dma_start3A_431 = tpu.memref_slice %arg6[%dma_start3A_429, %dma_start3A_430] : memref<400x64xf32, #tpu.memory_space<vmem>> -> memref<50x64xf32, #tpu.memory_space<vmem>>
      %dma_start3A_432 = arith.constant 0 : i32
      %dma_start3A_433 = arith.constant 0 : i32
      %dma_start3A_434 = tpu.memref_slice %arg4[%add3A_348, %dma_start3A_432, %dma_start3A_433] : memref<16384x50x64xf32, #tpu.memory_space<hbm>> -> memref<1x50x64xf32, #tpu.memory_space<hbm>>
      %dma_start3A_435 = tpu.memref_squeeze %dma_start3A_434 : memref<1x50x64xf32, #tpu.memory_space<hbm>> -> memref<50x64xf32, #tpu.memory_space<hbm>>
      %dma_start3A_436 = arith.constant 0 : i32
      %dma_start3A_437 = arith.constant 0 : i32
      %dma_start3A_438 = tpu.memref_slice %arg4[%add3A_348, %dma_start3A_436, %dma_start3A_437] : memref<16384x50x64xf32, #tpu.memory_space<hbm>> -> memref<1x50x64xf32, #tpu.memory_space<hbm>>
      %dma_start3A_439 = tpu.memref_squeeze %dma_start3A_438 : memref<1x50x64xf32, #tpu.memory_space<hbm>> -> memref<50x64xf32, #tpu.memory_space<hbm>>
      %dma_start3A_440 = arith.constant 250 : i32
      %dma_start3A_441 = arith.constant 0 : i32
      %dma_start3A_442 = tpu.memref_slice %arg6[%dma_start3A_440, %dma_start3A_441] : memref<400x64xf32, #tpu.memory_space<vmem>> -> memref<50x64xf32, #tpu.memory_space<vmem>>
      tpu.enqueue_dma source(%dma_start3A_442 : memref<50x64xf32, #tpu.memory_space<vmem>>) target(%dma_start3A_439 : memref<50x64xf32, #tpu.memory_space<hbm>>) target_semaphore(%arg10 : memref<!tpu.dma_semaphore, #tpu.memory_space<semaphore_mem>>)
      %dma_start3A_443 = arith.constant 300 : i32
      %dma_start3A_444 = arith.constant 0 : i32
      %dma_start3A_445 = tpu.memref_slice %arg6[%dma_start3A_443, %dma_start3A_444] : memref<400x64xf32, #tpu.memory_space<vmem>> -> memref<50x64xf32, #tpu.memory_space<vmem>>
      %dma_start3A_446 = arith.constant 0 : i32
      %dma_start3A_447 = arith.constant 0 : i32
      %dma_start3A_448 = tpu.memref_slice %arg4[%add3A_353, %dma_start3A_446, %dma_start3A_447] : memref<16384x50x64xf32, #tpu.memory_space<hbm>> -> memref<1x50x64xf32, #tpu.memory_space<hbm>>
      %dma_start3A_449 = tpu.memref_squeeze %dma_start3A_448 : memref<1x50x64xf32, #tpu.memory_space<hbm>> -> memref<50x64xf32, #tpu.memory_space<hbm>>
      %dma_start3A_450 = arith.constant 0 : i32
      %dma_start3A_451 = arith.constant 0 : i32
      %dma_start3A_452 = tpu.memref_slice %arg4[%add3A_353, %dma_start3A_450, %dma_start3A_451] : memref<16384x50x64xf32, #tpu.memory_space<hbm>> -> memref<1x50x64xf32, #tpu.memory_space<hbm>>
      %dma_start3A_453 = tpu.memref_squeeze %dma_start3A_452 : memref<1x50x64xf32, #tpu.memory_space<hbm>> -> memref<50x64xf32, #tpu.memory_space<hbm>>
      %dma_start3A_454 = arith.constant 300 : i32
      %dma_start3A_455 = arith.constant 0 : i32
      %dma_start3A_456 = tpu.memref_slice %arg6[%dma_start3A_454, %dma_start3A_455] : memref<400x64xf32, #tpu.memory_space<vmem>> -> memref<50x64xf32, #tpu.memory_space<vmem>>
      tpu.enqueue_dma source(%dma_start3A_456 : memref<50x64xf32, #tpu.memory_space<vmem>>) target(%dma_start3A_453 : memref<50x64xf32, #tpu.memory_space<hbm>>) target_semaphore(%arg10 : memref<!tpu.dma_semaphore, #tpu.memory_space<semaphore_mem>>)
      %dma_start3A_457 = arith.constant 350 : i32
      %dma_start3A_458 = arith.constant 0 : i32
      %dma_start3A_459 = tpu.memref_slice %arg6[%dma_start3A_457, %dma_start3A_458] : memref<400x64xf32, #tpu.memory_space<vmem>> -> memref<50x64xf32, #tpu.memory_space<vmem>>
      %dma_start3A_460 = arith.constant 0 : i32
      %dma_start3A_461 = arith.constant 0 : i32
      %dma_start3A_462 = tpu.memref_slice %arg4[%add3A_358, %dma_start3A_460, %dma_start3A_461] : memref<16384x50x64xf32, #tpu.memory_space<hbm>> -> memref<1x50x64xf32, #tpu.memory_space<hbm>>
      %dma_start3A_463 = tpu.memref_squeeze %dma_start3A_462 : memref<1x50x64xf32, #tpu.memory_space<hbm>> -> memref<50x64xf32, #tpu.memory_space<hbm>>
      %dma_start3A_464 = arith.constant 0 : i32
      %dma_start3A_465 = arith.constant 0 : i32
      %dma_start3A_466 = tpu.memref_slice %arg4[%add3A_358, %dma_start3A_464, %dma_start3A_465] : memref<16384x50x64xf32, #tpu.memory_space<hbm>> -> memref<1x50x64xf32, #tpu.memory_space<hbm>>
      %dma_start3A_467 = tpu.memref_squeeze %dma_start3A_466 : memref<1x50x64xf32, #tpu.memory_space<hbm>> -> memref<50x64xf32, #tpu.memory_space<hbm>>
      %dma_start3A_468 = arith.constant 350 : i32
      %dma_start3A_469 = arith.constant 0 : i32
      %dma_start3A_470 = tpu.memref_slice %arg6[%dma_start3A_468, %dma_start3A_469] : memref<400x64xf32, #tpu.memory_space<vmem>> -> memref<50x64xf32, #tpu.memory_space<vmem>>
      tpu.enqueue_dma source(%dma_start3A_470 : memref<50x64xf32, #tpu.memory_space<vmem>>) target(%dma_start3A_467 : memref<50x64xf32, #tpu.memory_space<hbm>>) target_semaphore(%arg10 : memref<!tpu.dma_semaphore, #tpu.memory_space<semaphore_mem>>)
      %lt3A = arith.constant 31 : i32
      %lt3A_471 = arith.cmpi slt, %scan3A_308, %lt3A : i32
      %convert_element_type3A = arith.extui %lt3A_471 : i1 to i32
      %cond3A = arith.constant 0 : i32
      %cond3A_472 = arith.cmpi ne, %convert_element_type3A, %cond3A : i32
      scf.if %cond3A_472 {
        %dma_wait3A_640 = arith.constant 0 : i32
        %dma_wait3A_641 = arith.constant 0 : i32
        %dma_wait3A_642 = tpu.memref_slice %arg6[%dma_wait3A_640, %dma_wait3A_641] : memref<400x64xf32, #tpu.memory_space<vmem>> -> memref<50x64xf32, #tpu.memory_space<vmem>>
        %dma_wait3A_643 = arith.constant 0 : i32
        %dma_wait3A_644 = arith.constant 0 : i32
        %dma_wait3A_645 = tpu.memref_slice %arg4[%add3A_323, %dma_wait3A_643, %dma_wait3A_644] : memref<16384x50x64xf32, #tpu.memory_space<hbm>> -> memref<1x50x64xf32, #tpu.memory_space<hbm>>
        %dma_wait3A_646 = tpu.memref_squeeze %dma_wait3A_645 : memref<1x50x64xf32, #tpu.memory_space<hbm>> -> memref<50x64xf32, #tpu.memory_space<hbm>>
        %dma_wait3A_647 = arith.constant 0 : i32
        %dma_wait3A_648 = arith.constant 0 : i32
        %dma_wait3A_649 = tpu.memref_slice %arg4[%add3A_323, %dma_wait3A_647, %dma_wait3A_648] : memref<16384x50x64xf32, #tpu.memory_space<hbm>> -> memref<1x50x64xf32, #tpu.memory_space<hbm>>
        %dma_wait3A_650 = tpu.memref_squeeze %dma_wait3A_649 : memref<1x50x64xf32, #tpu.memory_space<hbm>> -> memref<50x64xf32, #tpu.memory_space<hbm>>
        %dma_wait3A_651 = arith.constant 0 : i32
        %dma_wait3A_652 = arith.constant 0 : i32
        %dma_wait3A_653 = tpu.memref_slice %arg6[%dma_wait3A_651, %dma_wait3A_652] : memref<400x64xf32, #tpu.memory_space<vmem>> -> memref<50x64xf32, #tpu.memory_space<vmem>>
        tpu.wait_dma2 semaphore(%arg10 : memref<!tpu.dma_semaphore, #tpu.memory_space<semaphore_mem>>) src(%dma_wait3A_653 : memref<50x64xf32, #tpu.memory_space<vmem>>) dst(%dma_wait3A_650 : memref<50x64xf32, #tpu.memory_space<hbm>>)
        %dma_wait3A_654 = arith.constant 50 : i32
        %dma_wait3A_655 = arith.constant 0 : i32
        %dma_wait3A_656 = tpu.memref_slice %arg6[%dma_wait3A_654, %dma_wait3A_655] : memref<400x64xf32, #tpu.memory_space<vmem>> -> memref<50x64xf32, #tpu.memory_space<vmem>>
        %dma_wait3A_657 = arith.constant 0 : i32
        %dma_wait3A_658 = arith.constant 0 : i32
        %dma_wait3A_659 = tpu.memref_slice %arg4[%add3A_328, %dma_wait3A_657, %dma_wait3A_658] : memref<16384x50x64xf32, #tpu.memory_space<hbm>> -> memref<1x50x64xf32, #tpu.memory_space<hbm>>
        %dma_wait3A_660 = tpu.memref_squeeze %dma_wait3A_659 : memref<1x50x64xf32, #tpu.memory_space<hbm>> -> memref<50x64xf32, #tpu.memory_space<hbm>>
        %dma_wait3A_661 = arith.constant 0 : i32
        %dma_wait3A_662 = arith.constant 0 : i32
        %dma_wait3A_663 = tpu.memref_slice %arg4[%add3A_328, %dma_wait3A_661, %dma_wait3A_662] : memref<16384x50x64xf32, #tpu.memory_space<hbm>> -> memref<1x50x64xf32, #tpu.memory_space<hbm>>
        %dma_wait3A_664 = tpu.memref_squeeze %dma_wait3A_663 : memref<1x50x64xf32, #tpu.memory_space<hbm>> -> memref<50x64xf32, #tpu.memory_space<hbm>>
        %dma_wait3A_665 = arith.constant 50 : i32
        %dma_wait3A_666 = arith.constant 0 : i32
        %dma_wait3A_667 = tpu.memref_slice %arg6[%dma_wait3A_665, %dma_wait3A_666] : memref<400x64xf32, #tpu.memory_space<vmem>> -> memref<50x64xf32, #tpu.memory_space<vmem>>
        tpu.wait_dma2 semaphore(%arg10 : memref<!tpu.dma_semaphore, #tpu.memory_space<semaphore_mem>>) src(%dma_wait3A_667 : memref<50x64xf32, #tpu.memory_space<vmem>>) dst(%dma_wait3A_664 : memref<50x64xf32, #tpu.memory_space<hbm>>)
        %dma_wait3A_668 = arith.constant 100 : i32
        %dma_wait3A_669 = arith.constant 0 : i32
        %dma_wait3A_670 = tpu.memref_slice %arg6[%dma_wait3A_668, %dma_wait3A_669] : memref<400x64xf32, #tpu.memory_space<vmem>> -> memref<50x64xf32, #tpu.memory_space<vmem>>
        %dma_wait3A_671 = arith.constant 0 : i32
        %dma_wait3A_672 = arith.constant 0 : i32
        %dma_wait3A_673 = tpu.memref_slice %arg4[%add3A_333, %dma_wait3A_671, %dma_wait3A_672] : memref<16384x50x64xf32, #tpu.memory_space<hbm>> -> memref<1x50x64xf32, #tpu.memory_space<hbm>>
        %dma_wait3A_674 = tpu.memref_squeeze %dma_wait3A_673 : memref<1x50x64xf32, #tpu.memory_space<hbm>> -> memref<50x64xf32, #tpu.memory_space<hbm>>
        %dma_wait3A_675 = arith.constant 0 : i32
        %dma_wait3A_676 = arith.constant 0 : i32
        %dma_wait3A_677 = tpu.memref_slice %arg4[%add3A_333, %dma_wait3A_675, %dma_wait3A_676] : memref<16384x50x64xf32, #tpu.memory_space<hbm>> -> memref<1x50x64xf32, #tpu.memory_space<hbm>>
        %dma_wait3A_678 = tpu.memref_squeeze %dma_wait3A_677 : memref<1x50x64xf32, #tpu.memory_space<hbm>> -> memref<50x64xf32, #tpu.memory_space<hbm>>
        %dma_wait3A_679 = arith.constant 100 : i32
        %dma_wait3A_680 = arith.constant 0 : i32
        %dma_wait3A_681 = tpu.memref_slice %arg6[%dma_wait3A_679, %dma_wait3A_680] : memref<400x64xf32, #tpu.memory_space<vmem>> -> memref<50x64xf32, #tpu.memory_space<vmem>>
        tpu.wait_dma2 semaphore(%arg10 : memref<!tpu.dma_semaphore, #tpu.memory_space<semaphore_mem>>) src(%dma_wait3A_681 : memref<50x64xf32, #tpu.memory_space<vmem>>) dst(%dma_wait3A_678 : memref<50x64xf32, #tpu.memory_space<hbm>>)
        %dma_wait3A_682 = arith.constant 150 : i32
        %dma_wait3A_683 = arith.constant 0 : i32
        %dma_wait3A_684 = tpu.memref_slice %arg6[%dma_wait3A_682, %dma_wait3A_683] : memref<400x64xf32, #tpu.memory_space<vmem>> -> memref<50x64xf32, #tpu.memory_space<vmem>>
        %dma_wait3A_685 = arith.constant 0 : i32
        %dma_wait3A_686 = arith.constant 0 : i32
        %dma_wait3A_687 = tpu.memref_slice %arg4[%add3A_338, %dma_wait3A_685, %dma_wait3A_686] : memref<16384x50x64xf32, #tpu.memory_space<hbm>> -> memref<1x50x64xf32, #tpu.memory_space<hbm>>
        %dma_wait3A_688 = tpu.memref_squeeze %dma_wait3A_687 : memref<1x50x64xf32, #tpu.memory_space<hbm>> -> memref<50x64xf32, #tpu.memory_space<hbm>>
        %dma_wait3A_689 = arith.constant 0 : i32
        %dma_wait3A_690 = arith.constant 0 : i32
        %dma_wait3A_691 = tpu.memref_slice %arg4[%add3A_338, %dma_wait3A_689, %dma_wait3A_690] : memref<16384x50x64xf32, #tpu.memory_space<hbm>> -> memref<1x50x64xf32, #tpu.memory_space<hbm>>
        %dma_wait3A_692 = tpu.memref_squeeze %dma_wait3A_691 : memref<1x50x64xf32, #tpu.memory_space<hbm>> -> memref<50x64xf32, #tpu.memory_space<hbm>>
        %dma_wait3A_693 = arith.constant 150 : i32
        %dma_wait3A_694 = arith.constant 0 : i32
        %dma_wait3A_695 = tpu.memref_slice %arg6[%dma_wait3A_693, %dma_wait3A_694] : memref<400x64xf32, #tpu.memory_space<vmem>> -> memref<50x64xf32, #tpu.memory_space<vmem>>
        tpu.wait_dma2 semaphore(%arg10 : memref<!tpu.dma_semaphore, #tpu.memory_space<semaphore_mem>>) src(%dma_wait3A_695 : memref<50x64xf32, #tpu.memory_space<vmem>>) dst(%dma_wait3A_692 : memref<50x64xf32, #tpu.memory_space<hbm>>)
        %dma_wait3A_696 = arith.constant 200 : i32
        %dma_wait3A_697 = arith.constant 0 : i32
        %dma_wait3A_698 = tpu.memref_slice %arg6[%dma_wait3A_696, %dma_wait3A_697] : memref<400x64xf32, #tpu.memory_space<vmem>> -> memref<50x64xf32, #tpu.memory_space<vmem>>
        %dma_wait3A_699 = arith.constant 0 : i32
        %dma_wait3A_700 = arith.constant 0 : i32
        %dma_wait3A_701 = tpu.memref_slice %arg4[%add3A_343, %dma_wait3A_699, %dma_wait3A_700] : memref<16384x50x64xf32, #tpu.memory_space<hbm>> -> memref<1x50x64xf32, #tpu.memory_space<hbm>>
        %dma_wait3A_702 = tpu.memref_squeeze %dma_wait3A_701 : memref<1x50x64xf32, #tpu.memory_space<hbm>> -> memref<50x64xf32, #tpu.memory_space<hbm>>
        %dma_wait3A_703 = arith.constant 0 : i32
        %dma_wait3A_704 = arith.constant 0 : i32
        %dma_wait3A_705 = tpu.memref_slice %arg4[%add3A_343, %dma_wait3A_703, %dma_wait3A_704] : memref<16384x50x64xf32, #tpu.memory_space<hbm>> -> memref<1x50x64xf32, #tpu.memory_space<hbm>>
        %dma_wait3A_706 = tpu.memref_squeeze %dma_wait3A_705 : memref<1x50x64xf32, #tpu.memory_space<hbm>> -> memref<50x64xf32, #tpu.memory_space<hbm>>
        %dma_wait3A_707 = arith.constant 200 : i32
        %dma_wait3A_708 = arith.constant 0 : i32
        %dma_wait3A_709 = tpu.memref_slice %arg6[%dma_wait3A_707, %dma_wait3A_708] : memref<400x64xf32, #tpu.memory_space<vmem>> -> memref<50x64xf32, #tpu.memory_space<vmem>>
        tpu.wait_dma2 semaphore(%arg10 : memref<!tpu.dma_semaphore, #tpu.memory_space<semaphore_mem>>) src(%dma_wait3A_709 : memref<50x64xf32, #tpu.memory_space<vmem>>) dst(%dma_wait3A_706 : memref<50x64xf32, #tpu.memory_space<hbm>>)
        %dma_wait3A_710 = arith.constant 250 : i32
        %dma_wait3A_711 = arith.constant 0 : i32
        %dma_wait3A_712 = tpu.memref_slice %arg6[%dma_wait3A_710, %dma_wait3A_711] : memref<400x64xf32, #tpu.memory_space<vmem>> -> memref<50x64xf32, #tpu.memory_space<vmem>>
        %dma_wait3A_713 = arith.constant 0 : i32
        %dma_wait3A_714 = arith.constant 0 : i32
        %dma_wait3A_715 = tpu.memref_slice %arg4[%add3A_348, %dma_wait3A_713, %dma_wait3A_714] : memref<16384x50x64xf32, #tpu.memory_space<hbm>> -> memref<1x50x64xf32, #tpu.memory_space<hbm>>
        %dma_wait3A_716 = tpu.memref_squeeze %dma_wait3A_715 : memref<1x50x64xf32, #tpu.memory_space<hbm>> -> memref<50x64xf32, #tpu.memory_space<hbm>>
        %dma_wait3A_717 = arith.constant 0 : i32
        %dma_wait3A_718 = arith.constant 0 : i32
        %dma_wait3A_719 = tpu.memref_slice %arg4[%add3A_348, %dma_wait3A_717, %dma_wait3A_718] : memref<16384x50x64xf32, #tpu.memory_space<hbm>> -> memref<1x50x64xf32, #tpu.memory_space<hbm>>
        %dma_wait3A_720 = tpu.memref_squeeze %dma_wait3A_719 : memref<1x50x64xf32, #tpu.memory_space<hbm>> -> memref<50x64xf32, #tpu.memory_space<hbm>>
        %dma_wait3A_721 = arith.constant 250 : i32
        %dma_wait3A_722 = arith.constant 0 : i32
        %dma_wait3A_723 = tpu.memref_slice %arg6[%dma_wait3A_721, %dma_wait3A_722] : memref<400x64xf32, #tpu.memory_space<vmem>> -> memref<50x64xf32, #tpu.memory_space<vmem>>
        tpu.wait_dma2 semaphore(%arg10 : memref<!tpu.dma_semaphore, #tpu.memory_space<semaphore_mem>>) src(%dma_wait3A_723 : memref<50x64xf32, #tpu.memory_space<vmem>>) dst(%dma_wait3A_720 : memref<50x64xf32, #tpu.memory_space<hbm>>)
        %dma_wait3A_724 = arith.constant 300 : i32
        %dma_wait3A_725 = arith.constant 0 : i32
        %dma_wait3A_726 = tpu.memref_slice %arg6[%dma_wait3A_724, %dma_wait3A_725] : memref<400x64xf32, #tpu.memory_space<vmem>> -> memref<50x64xf32, #tpu.memory_space<vmem>>
        %dma_wait3A_727 = arith.constant 0 : i32
        %dma_wait3A_728 = arith.constant 0 : i32
        %dma_wait3A_729 = tpu.memref_slice %arg4[%add3A_353, %dma_wait3A_727, %dma_wait3A_728] : memref<16384x50x64xf32, #tpu.memory_space<hbm>> -> memref<1x50x64xf32, #tpu.memory_space<hbm>>
        %dma_wait3A_730 = tpu.memref_squeeze %dma_wait3A_729 : memref<1x50x64xf32, #tpu.memory_space<hbm>> -> memref<50x64xf32, #tpu.memory_space<hbm>>
        %dma_wait3A_731 = arith.constant 0 : i32
        %dma_wait3A_732 = arith.constant 0 : i32
        %dma_wait3A_733 = tpu.memref_slice %arg4[%add3A_353, %dma_wait3A_731, %dma_wait3A_732] : memref<16384x50x64xf32, #tpu.memory_space<hbm>> -> memref<1x50x64xf32, #tpu.memory_space<hbm>>
        %dma_wait3A_734 = tpu.memref_squeeze %dma_wait3A_733 : memref<1x50x64xf32, #tpu.memory_space<hbm>> -> memref<50x64xf32, #tpu.memory_space<hbm>>
        %dma_wait3A_735 = arith.constant 300 : i32
        %dma_wait3A_736 = arith.constant 0 : i32
        %dma_wait3A_737 = tpu.memref_slice %arg6[%dma_wait3A_735, %dma_wait3A_736] : memref<400x64xf32, #tpu.memory_space<vmem>> -> memref<50x64xf32, #tpu.memory_space<vmem>>
        tpu.wait_dma2 semaphore(%arg10 : memref<!tpu.dma_semaphore, #tpu.memory_space<semaphore_mem>>) src(%dma_wait3A_737 : memref<50x64xf32, #tpu.memory_space<vmem>>) dst(%dma_wait3A_734 : memref<50x64xf32, #tpu.memory_space<hbm>>)
        %dma_wait3A_738 = arith.constant 350 : i32
        %dma_wait3A_739 = arith.constant 0 : i32
        %dma_wait3A_740 = tpu.memref_slice %arg6[%dma_wait3A_738, %dma_wait3A_739] : memref<400x64xf32, #tpu.memory_space<vmem>> -> memref<50x64xf32, #tpu.memory_space<vmem>>
        %dma_wait3A_741 = arith.constant 0 : i32
        %dma_wait3A_742 = arith.constant 0 : i32
        %dma_wait3A_743 = tpu.memref_slice %arg4[%add3A_358, %dma_wait3A_741, %dma_wait3A_742] : memref<16384x50x64xf32, #tpu.memory_space<hbm>> -> memref<1x50x64xf32, #tpu.memory_space<hbm>>
        %dma_wait3A_744 = tpu.memref_squeeze %dma_wait3A_743 : memref<1x50x64xf32, #tpu.memory_space<hbm>> -> memref<50x64xf32, #tpu.memory_space<hbm>>
        %dma_wait3A_745 = arith.constant 0 : i32
        %dma_wait3A_746 = arith.constant 0 : i32
        %dma_wait3A_747 = tpu.memref_slice %arg4[%add3A_358, %dma_wait3A_745, %dma_wait3A_746] : memref<16384x50x64xf32, #tpu.memory_space<hbm>> -> memref<1x50x64xf32, #tpu.memory_space<hbm>>
        %dma_wait3A_748 = tpu.memref_squeeze %dma_wait3A_747 : memref<1x50x64xf32, #tpu.memory_space<hbm>> -> memref<50x64xf32, #tpu.memory_space<hbm>>
        %dma_wait3A_749 = arith.constant 350 : i32
        %dma_wait3A_750 = arith.constant 0 : i32
        %dma_wait3A_751 = tpu.memref_slice %arg6[%dma_wait3A_749, %dma_wait3A_750] : memref<400x64xf32, #tpu.memory_space<vmem>> -> memref<50x64xf32, #tpu.memory_space<vmem>>
        tpu.wait_dma2 semaphore(%arg10 : memref<!tpu.dma_semaphore, #tpu.memory_space<semaphore_mem>>) src(%dma_wait3A_751 : memref<50x64xf32, #tpu.memory_space<vmem>>) dst(%dma_wait3A_748 : memref<50x64xf32, #tpu.memory_space<hbm>>)
        %add3A_752 = arith.constant 2 : i32
        %add3A_753 = arith.addi %add3A_312, %add3A_752 : i32
        %dma_start3A_754 = arith.constant 0 : i32
        %dma_start3A_755 = tpu.memref_slice %arg5[%add3A_753, %dma_start3A_754] : memref<64x400xi32, #tpu.memory_space<vmem>> -> memref<1x400xi32, #tpu.memory_space<vmem>>
        %dma_start3A_756 = tpu.memref_squeeze %dma_start3A_755 : memref<1x400xi32, #tpu.memory_space<vmem>> -> memref<400xi32, #tpu.memory_space<vmem>>
        %dma_start3A_757 = arith.constant 0 : i32
        %dma_start3A_758 = arith.constant 0 : i32
        %dma_start3A_759 = tpu.memref_slice %arg3[%dma_start3A_757, %dma_start3A_758] : memref<1007616x64xf32, #tpu.memory_space<hbm>> -> memref<1007616x64xf32, #tpu.memory_space<hbm>>
        tpu.enqueue_indirect_dma source(%dma_start3A_759 : memref<1007616x64xf32, #tpu.memory_space<hbm>>) target(%arg6 : memref<400x64xf32, #tpu.memory_space<vmem>>) offsets(%dma_start3A_756 : memref<400xi32, #tpu.memory_space<vmem>>) semaphore(%arg8 : memref<!tpu.dma_semaphore, #tpu.memory_space<semaphore_mem>>)
      } else {
      }
      %mul3A_473 = arith.constant 2 : i32
      %mul3A_474 = arith.muli %scan3A_308, %mul3A_473 : i32
      %add3A_475 = arith.constant 1 : i32
      %add3A_476 = arith.addi %mul3A_474, %add3A_475 : i32
      %dma_wait3A_477 = arith.constant 0 : i32
      %dma_wait3A_478 = tpu.memref_slice %arg5[%add3A_476, %dma_wait3A_477] : memref<64x400xi32, #tpu.memory_space<vmem>> -> memref<1x400xi32, #tpu.memory_space<vmem>>
      %dma_wait3A_479 = tpu.memref_squeeze %dma_wait3A_478 : memref<1x400xi32, #tpu.memory_space<vmem>> -> memref<400xi32, #tpu.memory_space<vmem>>
      %dma_wait3A_480 = arith.constant 0 : i32
      %dma_wait3A_481 = arith.constant 0 : i32
      %dma_wait3A_482 = tpu.memref_slice %arg3[%dma_wait3A_480, %dma_wait3A_481] : memref<1007616x64xf32, #tpu.memory_space<hbm>> -> memref<1007616x64xf32, #tpu.memory_space<hbm>>
      tpu.wait_indirect_dma semaphore(%arg9 : memref<!tpu.dma_semaphore, #tpu.memory_space<semaphore_mem>>) src(%dma_wait3A_482 : memref<1007616x64xf32, #tpu.memory_space<hbm>>) dst(%arg7 : memref<400x64xf32, #tpu.memory_space<vmem>>)
      %mul3A_483 = arith.constant 8 : i32
      %mul3A_484 = arith.muli %add3A_476, %mul3A_483 : i32
      %add3A_485 = arith.addi %mul3A_2, %mul3A_484 : i32
      %add3A_486 = arith.constant 0 : i32
      %add3A_487 = arith.addi %add3A_485, %add3A_486 : i32
      %mul3A_488 = arith.constant 8 : i32
      %mul3A_489 = arith.muli %add3A_476, %mul3A_488 : i32
      %add3A_490 = arith.addi %mul3A_2, %mul3A_489 : i32
      %add3A_491 = arith.constant 1 : i32
      %add3A_492 = arith.addi %add3A_490, %add3A_491 : i32
      %mul3A_493 = arith.constant 8 : i32
      %mul3A_494 = arith.muli %add3A_476, %mul3A_493 : i32
      %add3A_495 = arith.addi %mul3A_2, %mul3A_494 : i32
      %add3A_496 = arith.constant 2 : i32
      %add3A_497 = arith.addi %add3A_495, %add3A_496 : i32
      %mul3A_498 = arith.constant 8 : i32
      %mul3A_499 = arith.muli %add3A_476, %mul3A_498 : i32
      %add3A_500 = arith.addi %mul3A_2, %mul3A_499 : i32
      %add3A_501 = arith.constant 3 : i32
      %add3A_502 = arith.addi %add3A_500, %add3A_501 : i32
      %mul3A_503 = arith.constant 8 : i32
      %mul3A_504 = arith.muli %add3A_476, %mul3A_503 : i32
      %add3A_505 = arith.addi %mul3A_2, %mul3A_504 : i32
      %add3A_506 = arith.constant 4 : i32
      %add3A_507 = arith.addi %add3A_505, %add3A_506 : i32
      %mul3A_508 = arith.constant 8 : i32
      %mul3A_509 = arith.muli %add3A_476, %mul3A_508 : i32
      %add3A_510 = arith.addi %mul3A_2, %mul3A_509 : i32
      %add3A_511 = arith.constant 5 : i32
      %add3A_512 = arith.addi %add3A_510, %add3A_511 : i32
      %mul3A_513 = arith.constant 8 : i32
      %mul3A_514 = arith.muli %add3A_476, %mul3A_513 : i32
      %add3A_515 = arith.addi %mul3A_2, %mul3A_514 : i32
      %add3A_516 = arith.constant 6 : i32
      %add3A_517 = arith.addi %add3A_515, %add3A_516 : i32
      %mul3A_518 = arith.constant 8 : i32
      %mul3A_519 = arith.muli %add3A_476, %mul3A_518 : i32
      %add3A_520 = arith.addi %mul3A_2, %mul3A_519 : i32
      %add3A_521 = arith.constant 7 : i32
      %add3A_522 = arith.addi %add3A_520, %add3A_521 : i32
      %dma_start3A_523 = arith.constant 0 : i32
      %dma_start3A_524 = arith.constant 0 : i32
      %dma_start3A_525 = tpu.memref_slice %arg7[%dma_start3A_523, %dma_start3A_524] : memref<400x64xf32, #tpu.memory_space<vmem>> -> memref<50x64xf32, #tpu.memory_space<vmem>>
      %dma_start3A_526 = arith.constant 0 : i32
      %dma_start3A_527 = arith.constant 0 : i32
      %dma_start3A_528 = tpu.memref_slice %arg4[%add3A_487, %dma_start3A_526, %dma_start3A_527] : memref<16384x50x64xf32, #tpu.memory_space<hbm>> -> memref<1x50x64xf32, #tpu.memory_space<hbm>>
      %dma_start3A_529 = tpu.memref_squeeze %dma_start3A_528 : memref<1x50x64xf32, #tpu.memory_space<hbm>> -> memref<50x64xf32, #tpu.memory_space<hbm>>
      %dma_start3A_530 = arith.constant 0 : i32
      %dma_start3A_531 = arith.constant 0 : i32
      %dma_start3A_532 = tpu.memref_slice %arg4[%add3A_487, %dma_start3A_530, %dma_start3A_531] : memref<16384x50x64xf32, #tpu.memory_space<hbm>> -> memref<1x50x64xf32, #tpu.memory_space<hbm>>
      %dma_start3A_533 = tpu.memref_squeeze %dma_start3A_532 : memref<1x50x64xf32, #tpu.memory_space<hbm>> -> memref<50x64xf32, #tpu.memory_space<hbm>>
      %dma_start3A_534 = arith.constant 0 : i32
      %dma_start3A_535 = arith.constant 0 : i32
      %dma_start3A_536 = tpu.memref_slice %arg7[%dma_start3A_534, %dma_start3A_535] : memref<400x64xf32, #tpu.memory_space<vmem>> -> memref<50x64xf32, #tpu.memory_space<vmem>>
      tpu.enqueue_dma source(%dma_start3A_536 : memref<50x64xf32, #tpu.memory_space<vmem>>) target(%dma_start3A_533 : memref<50x64xf32, #tpu.memory_space<hbm>>) target_semaphore(%arg11 : memref<!tpu.dma_semaphore, #tpu.memory_space<semaphore_mem>>)
      %dma_start3A_537 = arith.constant 50 : i32
      %dma_start3A_538 = arith.constant 0 : i32
      %dma_start3A_539 = tpu.memref_slice %arg7[%dma_start3A_537, %dma_start3A_538] : memref<400x64xf32, #tpu.memory_space<vmem>> -> memref<50x64xf32, #tpu.memory_space<vmem>>
      %dma_start3A_540 = arith.constant 0 : i32
      %dma_start3A_541 = arith.constant 0 : i32
      %dma_start3A_542 = tpu.memref_slice %arg4[%add3A_492, %dma_start3A_540, %dma_start3A_541] : memref<16384x50x64xf32, #tpu.memory_space<hbm>> -> memref<1x50x64xf32, #tpu.memory_space<hbm>>
      %dma_start3A_543 = tpu.memref_squeeze %dma_start3A_542 : memref<1x50x64xf32, #tpu.memory_space<hbm>> -> memref<50x64xf32, #tpu.memory_space<hbm>>
      %dma_start3A_544 = arith.constant 0 : i32
      %dma_start3A_545 = arith.constant 0 : i32
      %dma_start3A_546 = tpu.memref_slice %arg4[%add3A_492, %dma_start3A_544, %dma_start3A_545] : memref<16384x50x64xf32, #tpu.memory_space<hbm>> -> memref<1x50x64xf32, #tpu.memory_space<hbm>>
      %dma_start3A_547 = tpu.memref_squeeze %dma_start3A_546 : memref<1x50x64xf32, #tpu.memory_space<hbm>> -> memref<50x64xf32, #tpu.memory_space<hbm>>
      %dma_start3A_548 = arith.constant 50 : i32
      %dma_start3A_549 = arith.constant 0 : i32
      %dma_start3A_550 = tpu.memref_slice %arg7[%dma_start3A_548, %dma_start3A_549] : memref<400x64xf32, #tpu.memory_space<vmem>> -> memref<50x64xf32, #tpu.memory_space<vmem>>
      tpu.enqueue_dma source(%dma_start3A_550 : memref<50x64xf32, #tpu.memory_space<vmem>>) target(%dma_start3A_547 : memref<50x64xf32, #tpu.memory_space<hbm>>) target_semaphore(%arg11 : memref<!tpu.dma_semaphore, #tpu.memory_space<semaphore_mem>>)
      %dma_start3A_551 = arith.constant 100 : i32
      %dma_start3A_552 = arith.constant 0 : i32
      %dma_start3A_553 = tpu.memref_slice %arg7[%dma_start3A_551, %dma_start3A_552] : memref<400x64xf32, #tpu.memory_space<vmem>> -> memref<50x64xf32, #tpu.memory_space<vmem>>
      %dma_start3A_554 = arith.constant 0 : i32
      %dma_start3A_555 = arith.constant 0 : i32
      %dma_start3A_556 = tpu.memref_slice %arg4[%add3A_497, %dma_start3A_554, %dma_start3A_555] : memref<16384x50x64xf32, #tpu.memory_space<hbm>> -> memref<1x50x64xf32, #tpu.memory_space<hbm>>
      %dma_start3A_557 = tpu.memref_squeeze %dma_start3A_556 : memref<1x50x64xf32, #tpu.memory_space<hbm>> -> memref<50x64xf32, #tpu.memory_space<hbm>>
      %dma_start3A_558 = arith.constant 0 : i32
      %dma_start3A_559 = arith.constant 0 : i32
      %dma_start3A_560 = tpu.memref_slice %arg4[%add3A_497, %dma_start3A_558, %dma_start3A_559] : memref<16384x50x64xf32, #tpu.memory_space<hbm>> -> memref<1x50x64xf32, #tpu.memory_space<hbm>>
      %dma_start3A_561 = tpu.memref_squeeze %dma_start3A_560 : memref<1x50x64xf32, #tpu.memory_space<hbm>> -> memref<50x64xf32, #tpu.memory_space<hbm>>
      %dma_start3A_562 = arith.constant 100 : i32
      %dma_start3A_563 = arith.constant 0 : i32
      %dma_start3A_564 = tpu.memref_slice %arg7[%dma_start3A_562, %dma_start3A_563] : memref<400x64xf32, #tpu.memory_space<vmem>> -> memref<50x64xf32, #tpu.memory_space<vmem>>
      tpu.enqueue_dma source(%dma_start3A_564 : memref<50x64xf32, #tpu.memory_space<vmem>>) target(%dma_start3A_561 : memref<50x64xf32, #tpu.memory_space<hbm>>) target_semaphore(%arg11 : memref<!tpu.dma_semaphore, #tpu.memory_space<semaphore_mem>>)
      %dma_start3A_565 = arith.constant 150 : i32
      %dma_start3A_566 = arith.constant 0 : i32
      %dma_start3A_567 = tpu.memref_slice %arg7[%dma_start3A_565, %dma_start3A_566] : memref<400x64xf32, #tpu.memory_space<vmem>> -> memref<50x64xf32, #tpu.memory_space<vmem>>
      %dma_start3A_568 = arith.constant 0 : i32
      %dma_start3A_569 = arith.constant 0 : i32
      %dma_start3A_570 = tpu.memref_slice %arg4[%add3A_502, %dma_start3A_568, %dma_start3A_569] : memref<16384x50x64xf32, #tpu.memory_space<hbm>> -> memref<1x50x64xf32, #tpu.memory_space<hbm>>
      %dma_start3A_571 = tpu.memref_squeeze %dma_start3A_570 : memref<1x50x64xf32, #tpu.memory_space<hbm>> -> memref<50x64xf32, #tpu.memory_space<hbm>>
      %dma_start3A_572 = arith.constant 0 : i32
      %dma_start3A_573 = arith.constant 0 : i32
      %dma_start3A_574 = tpu.memref_slice %arg4[%add3A_502, %dma_start3A_572, %dma_start3A_573] : memref<16384x50x64xf32, #tpu.memory_space<hbm>> -> memref<1x50x64xf32, #tpu.memory_space<hbm>>
      %dma_start3A_575 = tpu.memref_squeeze %dma_start3A_574 : memref<1x50x64xf32, #tpu.memory_space<hbm>> -> memref<50x64xf32, #tpu.memory_space<hbm>>
      %dma_start3A_576 = arith.constant 150 : i32
      %dma_start3A_577 = arith.constant 0 : i32
      %dma_start3A_578 = tpu.memref_slice %arg7[%dma_start3A_576, %dma_start3A_577] : memref<400x64xf32, #tpu.memory_space<vmem>> -> memref<50x64xf32, #tpu.memory_space<vmem>>
      tpu.enqueue_dma source(%dma_start3A_578 : memref<50x64xf32, #tpu.memory_space<vmem>>) target(%dma_start3A_575 : memref<50x64xf32, #tpu.memory_space<hbm>>) target_semaphore(%arg11 : memref<!tpu.dma_semaphore, #tpu.memory_space<semaphore_mem>>)
      %dma_start3A_579 = arith.constant 200 : i32
      %dma_start3A_580 = arith.constant 0 : i32
      %dma_start3A_581 = tpu.memref_slice %arg7[%dma_start3A_579, %dma_start3A_580] : memref<400x64xf32, #tpu.memory_space<vmem>> -> memref<50x64xf32, #tpu.memory_space<vmem>>
      %dma_start3A_582 = arith.constant 0 : i32
      %dma_start3A_583 = arith.constant 0 : i32
      %dma_start3A_584 = tpu.memref_slice %arg4[%add3A_507, %dma_start3A_582, %dma_start3A_583] : memref<16384x50x64xf32, #tpu.memory_space<hbm>> -> memref<1x50x64xf32, #tpu.memory_space<hbm>>
      %dma_start3A_585 = tpu.memref_squeeze %dma_start3A_584 : memref<1x50x64xf32, #tpu.memory_space<hbm>> -> memref<50x64xf32, #tpu.memory_space<hbm>>
      %dma_start3A_586 = arith.constant 0 : i32
      %dma_start3A_587 = arith.constant 0 : i32
      %dma_start3A_588 = tpu.memref_slice %arg4[%add3A_507, %dma_start3A_586, %dma_start3A_587] : memref<16384x50x64xf32, #tpu.memory_space<hbm>> -> memref<1x50x64xf32, #tpu.memory_space<hbm>>
      %dma_start3A_589 = tpu.memref_squeeze %dma_start3A_588 : memref<1x50x64xf32, #tpu.memory_space<hbm>> -> memref<50x64xf32, #tpu.memory_space<hbm>>
      %dma_start3A_590 = arith.constant 200 : i32
      %dma_start3A_591 = arith.constant 0 : i32
      %dma_start3A_592 = tpu.memref_slice %arg7[%dma_start3A_590, %dma_start3A_591] : memref<400x64xf32, #tpu.memory_space<vmem>> -> memref<50x64xf32, #tpu.memory_space<vmem>>
      tpu.enqueue_dma source(%dma_start3A_592 : memref<50x64xf32, #tpu.memory_space<vmem>>) target(%dma_start3A_589 : memref<50x64xf32, #tpu.memory_space<hbm>>) target_semaphore(%arg11 : memref<!tpu.dma_semaphore, #tpu.memory_space<semaphore_mem>>)
      %dma_start3A_593 = arith.constant 250 : i32
      %dma_start3A_594 = arith.constant 0 : i32
      %dma_start3A_595 = tpu.memref_slice %arg7[%dma_start3A_593, %dma_start3A_594] : memref<400x64xf32, #tpu.memory_space<vmem>> -> memref<50x64xf32, #tpu.memory_space<vmem>>
      %dma_start3A_596 = arith.constant 0 : i32
      %dma_start3A_597 = arith.constant 0 : i32
      %dma_start3A_598 = tpu.memref_slice %arg4[%add3A_512, %dma_start3A_596, %dma_start3A_597] : memref<16384x50x64xf32, #tpu.memory_space<hbm>> -> memref<1x50x64xf32, #tpu.memory_space<hbm>>
      %dma_start3A_599 = tpu.memref_squeeze %dma_start3A_598 : memref<1x50x64xf32, #tpu.memory_space<hbm>> -> memref<50x64xf32, #tpu.memory_space<hbm>>
      %dma_start3A_600 = arith.constant 0 : i32
      %dma_start3A_601 = arith.constant 0 : i32
      %dma_start3A_602 = tpu.memref_slice %arg4[%add3A_512, %dma_start3A_600, %dma_start3A_601] : memref<16384x50x64xf32, #tpu.memory_space<hbm>> -> memref<1x50x64xf32, #tpu.memory_space<hbm>>
      %dma_start3A_603 = tpu.memref_squeeze %dma_start3A_602 : memref<1x50x64xf32, #tpu.memory_space<hbm>> -> memref<50x64xf32, #tpu.memory_space<hbm>>
      %dma_start3A_604 = arith.constant 250 : i32
      %dma_start3A_605 = arith.constant 0 : i32
      %dma_start3A_606 = tpu.memref_slice %arg7[%dma_start3A_604, %dma_start3A_605] : memref<400x64xf32, #tpu.memory_space<vmem>> -> memref<50x64xf32, #tpu.memory_space<vmem>>
      tpu.enqueue_dma source(%dma_start3A_606 : memref<50x64xf32, #tpu.memory_space<vmem>>) target(%dma_start3A_603 : memref<50x64xf32, #tpu.memory_space<hbm>>) target_semaphore(%arg11 : memref<!tpu.dma_semaphore, #tpu.memory_space<semaphore_mem>>)
      %dma_start3A_607 = arith.constant 300 : i32
      %dma_start3A_608 = arith.constant 0 : i32
      %dma_start3A_609 = tpu.memref_slice %arg7[%dma_start3A_607, %dma_start3A_608] : memref<400x64xf32, #tpu.memory_space<vmem>> -> memref<50x64xf32, #tpu.memory_space<vmem>>
      %dma_start3A_610 = arith.constant 0 : i32
      %dma_start3A_611 = arith.constant 0 : i32
      %dma_start3A_612 = tpu.memref_slice %arg4[%add3A_517, %dma_start3A_610, %dma_start3A_611] : memref<16384x50x64xf32, #tpu.memory_space<hbm>> -> memref<1x50x64xf32, #tpu.memory_space<hbm>>
      %dma_start3A_613 = tpu.memref_squeeze %dma_start3A_612 : memref<1x50x64xf32, #tpu.memory_space<hbm>> -> memref<50x64xf32, #tpu.memory_space<hbm>>
      %dma_start3A_614 = arith.constant 0 : i32
      %dma_start3A_615 = arith.constant 0 : i32
      %dma_start3A_616 = tpu.memref_slice %arg4[%add3A_517, %dma_start3A_614, %dma_start3A_615] : memref<16384x50x64xf32, #tpu.memory_space<hbm>> -> memref<1x50x64xf32, #tpu.memory_space<hbm>>
      %dma_start3A_617 = tpu.memref_squeeze %dma_start3A_616 : memref<1x50x64xf32, #tpu.memory_space<hbm>> -> memref<50x64xf32, #tpu.memory_space<hbm>>
      %dma_start3A_618 = arith.constant 300 : i32
      %dma_start3A_619 = arith.constant 0 : i32
      %dma_start3A_620 = tpu.memref_slice %arg7[%dma_start3A_618, %dma_start3A_619] : memref<400x64xf32, #tpu.memory_space<vmem>> -> memref<50x64xf32, #tpu.memory_space<vmem>>
      tpu.enqueue_dma source(%dma_start3A_620 : memref<50x64xf32, #tpu.memory_space<vmem>>) target(%dma_start3A_617 : memref<50x64xf32, #tpu.memory_space<hbm>>) target_semaphore(%arg11 : memref<!tpu.dma_semaphore, #tpu.memory_space<semaphore_mem>>)
      %dma_start3A_621 = arith.constant 350 : i32
      %dma_start3A_622 = arith.constant 0 : i32
      %dma_start3A_623 = tpu.memref_slice %arg7[%dma_start3A_621, %dma_start3A_622] : memref<400x64xf32, #tpu.memory_space<vmem>> -> memref<50x64xf32, #tpu.memory_space<vmem>>
      %dma_start3A_624 = arith.constant 0 : i32
      %dma_start3A_625 = arith.constant 0 : i32
      %dma_start3A_626 = tpu.memref_slice %arg4[%add3A_522, %dma_start3A_624, %dma_start3A_625] : memref<16384x50x64xf32, #tpu.memory_space<hbm>> -> memref<1x50x64xf32, #tpu.memory_space<hbm>>
      %dma_start3A_627 = tpu.memref_squeeze %dma_start3A_626 : memref<1x50x64xf32, #tpu.memory_space<hbm>> -> memref<50x64xf32, #tpu.memory_space<hbm>>
      %dma_start3A_628 = arith.constant 0 : i32
      %dma_start3A_629 = arith.constant 0 : i32
      %dma_start3A_630 = tpu.memref_slice %arg4[%add3A_522, %dma_start3A_628, %dma_start3A_629] : memref<16384x50x64xf32, #tpu.memory_space<hbm>> -> memref<1x50x64xf32, #tpu.memory_space<hbm>>
      %dma_start3A_631 = tpu.memref_squeeze %dma_start3A_630 : memref<1x50x64xf32, #tpu.memory_space<hbm>> -> memref<50x64xf32, #tpu.memory_space<hbm>>
      %dma_start3A_632 = arith.constant 350 : i32
      %dma_start3A_633 = arith.constant 0 : i32
      %dma_start3A_634 = tpu.memref_slice %arg7[%dma_start3A_632, %dma_start3A_633] : memref<400x64xf32, #tpu.memory_space<vmem>> -> memref<50x64xf32, #tpu.memory_space<vmem>>
      tpu.enqueue_dma source(%dma_start3A_634 : memref<50x64xf32, #tpu.memory_space<vmem>>) target(%dma_start3A_631 : memref<50x64xf32, #tpu.memory_space<hbm>>) target_semaphore(%arg11 : memref<!tpu.dma_semaphore, #tpu.memory_space<semaphore_mem>>)
      %lt3A_635 = arith.constant 31 : i32
      %lt3A_636 = arith.cmpi slt, %scan3A_308, %lt3A_635 : i32
      %convert_element_type3A_637 = arith.extui %lt3A_636 : i1 to i32
      %cond3A_638 = arith.constant 0 : i32
      %cond3A_639 = arith.cmpi ne, %convert_element_type3A_637, %cond3A_638 : i32
      scf.if %cond3A_639 {
        %dma_wait3A_640 = arith.constant 0 : i32
        %dma_wait3A_641 = arith.constant 0 : i32
        %dma_wait3A_642 = tpu.memref_slice %arg7[%dma_wait3A_640, %dma_wait3A_641] : memref<400x64xf32, #tpu.memory_space<vmem>> -> memref<50x64xf32, #tpu.memory_space<vmem>>
        %dma_wait3A_643 = arith.constant 0 : i32
        %dma_wait3A_644 = arith.constant 0 : i32
        %dma_wait3A_645 = tpu.memref_slice %arg4[%add3A_487, %dma_wait3A_643, %dma_wait3A_644] : memref<16384x50x64xf32, #tpu.memory_space<hbm>> -> memref<1x50x64xf32, #tpu.memory_space<hbm>>
        %dma_wait3A_646 = tpu.memref_squeeze %dma_wait3A_645 : memref<1x50x64xf32, #tpu.memory_space<hbm>> -> memref<50x64xf32, #tpu.memory_space<hbm>>
        %dma_wait3A_647 = arith.constant 0 : i32
        %dma_wait3A_648 = arith.constant 0 : i32
        %dma_wait3A_649 = tpu.memref_slice %arg4[%add3A_487, %dma_wait3A_647, %dma_wait3A_648] : memref<16384x50x64xf32, #tpu.memory_space<hbm>> -> memref<1x50x64xf32, #tpu.memory_space<hbm>>
        %dma_wait3A_650 = tpu.memref_squeeze %dma_wait3A_649 : memref<1x50x64xf32, #tpu.memory_space<hbm>> -> memref<50x64xf32, #tpu.memory_space<hbm>>
        %dma_wait3A_651 = arith.constant 0 : i32
        %dma_wait3A_652 = arith.constant 0 : i32
        %dma_wait3A_653 = tpu.memref_slice %arg7[%dma_wait3A_651, %dma_wait3A_652] : memref<400x64xf32, #tpu.memory_space<vmem>> -> memref<50x64xf32, #tpu.memory_space<vmem>>
        tpu.wait_dma2 semaphore(%arg11 : memref<!tpu.dma_semaphore, #tpu.memory_space<semaphore_mem>>) src(%dma_wait3A_653 : memref<50x64xf32, #tpu.memory_space<vmem>>) dst(%dma_wait3A_650 : memref<50x64xf32, #tpu.memory_space<hbm>>)
        %dma_wait3A_654 = arith.constant 50 : i32
        %dma_wait3A_655 = arith.constant 0 : i32
        %dma_wait3A_656 = tpu.memref_slice %arg7[%dma_wait3A_654, %dma_wait3A_655] : memref<400x64xf32, #tpu.memory_space<vmem>> -> memref<50x64xf32, #tpu.memory_space<vmem>>
        %dma_wait3A_657 = arith.constant 0 : i32
        %dma_wait3A_658 = arith.constant 0 : i32
        %dma_wait3A_659 = tpu.memref_slice %arg4[%add3A_492, %dma_wait3A_657, %dma_wait3A_658] : memref<16384x50x64xf32, #tpu.memory_space<hbm>> -> memref<1x50x64xf32, #tpu.memory_space<hbm>>
        %dma_wait3A_660 = tpu.memref_squeeze %dma_wait3A_659 : memref<1x50x64xf32, #tpu.memory_space<hbm>> -> memref<50x64xf32, #tpu.memory_space<hbm>>
        %dma_wait3A_661 = arith.constant 0 : i32
        %dma_wait3A_662 = arith.constant 0 : i32
        %dma_wait3A_663 = tpu.memref_slice %arg4[%add3A_492, %dma_wait3A_661, %dma_wait3A_662] : memref<16384x50x64xf32, #tpu.memory_space<hbm>> -> memref<1x50x64xf32, #tpu.memory_space<hbm>>
        %dma_wait3A_664 = tpu.memref_squeeze %dma_wait3A_663 : memref<1x50x64xf32, #tpu.memory_space<hbm>> -> memref<50x64xf32, #tpu.memory_space<hbm>>
        %dma_wait3A_665 = arith.constant 50 : i32
        %dma_wait3A_666 = arith.constant 0 : i32
        %dma_wait3A_667 = tpu.memref_slice %arg7[%dma_wait3A_665, %dma_wait3A_666] : memref<400x64xf32, #tpu.memory_space<vmem>> -> memref<50x64xf32, #tpu.memory_space<vmem>>
        tpu.wait_dma2 semaphore(%arg11 : memref<!tpu.dma_semaphore, #tpu.memory_space<semaphore_mem>>) src(%dma_wait3A_667 : memref<50x64xf32, #tpu.memory_space<vmem>>) dst(%dma_wait3A_664 : memref<50x64xf32, #tpu.memory_space<hbm>>)
        %dma_wait3A_668 = arith.constant 100 : i32
        %dma_wait3A_669 = arith.constant 0 : i32
        %dma_wait3A_670 = tpu.memref_slice %arg7[%dma_wait3A_668, %dma_wait3A_669] : memref<400x64xf32, #tpu.memory_space<vmem>> -> memref<50x64xf32, #tpu.memory_space<vmem>>
        %dma_wait3A_671 = arith.constant 0 : i32
        %dma_wait3A_672 = arith.constant 0 : i32
        %dma_wait3A_673 = tpu.memref_slice %arg4[%add3A_497, %dma_wait3A_671, %dma_wait3A_672] : memref<16384x50x64xf32, #tpu.memory_space<hbm>> -> memref<1x50x64xf32, #tpu.memory_space<hbm>>
        %dma_wait3A_674 = tpu.memref_squeeze %dma_wait3A_673 : memref<1x50x64xf32, #tpu.memory_space<hbm>> -> memref<50x64xf32, #tpu.memory_space<hbm>>
        %dma_wait3A_675 = arith.constant 0 : i32
        %dma_wait3A_676 = arith.constant 0 : i32
        %dma_wait3A_677 = tpu.memref_slice %arg4[%add3A_497, %dma_wait3A_675, %dma_wait3A_676] : memref<16384x50x64xf32, #tpu.memory_space<hbm>> -> memref<1x50x64xf32, #tpu.memory_space<hbm>>
        %dma_wait3A_678 = tpu.memref_squeeze %dma_wait3A_677 : memref<1x50x64xf32, #tpu.memory_space<hbm>> -> memref<50x64xf32, #tpu.memory_space<hbm>>
        %dma_wait3A_679 = arith.constant 100 : i32
        %dma_wait3A_680 = arith.constant 0 : i32
        %dma_wait3A_681 = tpu.memref_slice %arg7[%dma_wait3A_679, %dma_wait3A_680] : memref<400x64xf32, #tpu.memory_space<vmem>> -> memref<50x64xf32, #tpu.memory_space<vmem>>
        tpu.wait_dma2 semaphore(%arg11 : memref<!tpu.dma_semaphore, #tpu.memory_space<semaphore_mem>>) src(%dma_wait3A_681 : memref<50x64xf32, #tpu.memory_space<vmem>>) dst(%dma_wait3A_678 : memref<50x64xf32, #tpu.memory_space<hbm>>)
        %dma_wait3A_682 = arith.constant 150 : i32
        %dma_wait3A_683 = arith.constant 0 : i32
        %dma_wait3A_684 = tpu.memref_slice %arg7[%dma_wait3A_682, %dma_wait3A_683] : memref<400x64xf32, #tpu.memory_space<vmem>> -> memref<50x64xf32, #tpu.memory_space<vmem>>
        %dma_wait3A_685 = arith.constant 0 : i32
        %dma_wait3A_686 = arith.constant 0 : i32
        %dma_wait3A_687 = tpu.memref_slice %arg4[%add3A_502, %dma_wait3A_685, %dma_wait3A_686] : memref<16384x50x64xf32, #tpu.memory_space<hbm>> -> memref<1x50x64xf32, #tpu.memory_space<hbm>>
        %dma_wait3A_688 = tpu.memref_squeeze %dma_wait3A_687 : memref<1x50x64xf32, #tpu.memory_space<hbm>> -> memref<50x64xf32, #tpu.memory_space<hbm>>
        %dma_wait3A_689 = arith.constant 0 : i32
        %dma_wait3A_690 = arith.constant 0 : i32
        %dma_wait3A_691 = tpu.memref_slice %arg4[%add3A_502, %dma_wait3A_689, %dma_wait3A_690] : memref<16384x50x64xf32, #tpu.memory_space<hbm>> -> memref<1x50x64xf32, #tpu.memory_space<hbm>>
        %dma_wait3A_692 = tpu.memref_squeeze %dma_wait3A_691 : memref<1x50x64xf32, #tpu.memory_space<hbm>> -> memref<50x64xf32, #tpu.memory_space<hbm>>
        %dma_wait3A_693 = arith.constant 150 : i32
        %dma_wait3A_694 = arith.constant 0 : i32
        %dma_wait3A_695 = tpu.memref_slice %arg7[%dma_wait3A_693, %dma_wait3A_694] : memref<400x64xf32, #tpu.memory_space<vmem>> -> memref<50x64xf32, #tpu.memory_space<vmem>>
        tpu.wait_dma2 semaphore(%arg11 : memref<!tpu.dma_semaphore, #tpu.memory_space<semaphore_mem>>) src(%dma_wait3A_695 : memref<50x64xf32, #tpu.memory_space<vmem>>) dst(%dma_wait3A_692 : memref<50x64xf32, #tpu.memory_space<hbm>>)
        %dma_wait3A_696 = arith.constant 200 : i32
        %dma_wait3A_697 = arith.constant 0 : i32
        %dma_wait3A_698 = tpu.memref_slice %arg7[%dma_wait3A_696, %dma_wait3A_697] : memref<400x64xf32, #tpu.memory_space<vmem>> -> memref<50x64xf32, #tpu.memory_space<vmem>>
        %dma_wait3A_699 = arith.constant 0 : i32
        %dma_wait3A_700 = arith.constant 0 : i32
        %dma_wait3A_701 = tpu.memref_slice %arg4[%add3A_507, %dma_wait3A_699, %dma_wait3A_700] : memref<16384x50x64xf32, #tpu.memory_space<hbm>> -> memref<1x50x64xf32, #tpu.memory_space<hbm>>
        %dma_wait3A_702 = tpu.memref_squeeze %dma_wait3A_701 : memref<1x50x64xf32, #tpu.memory_space<hbm>> -> memref<50x64xf32, #tpu.memory_space<hbm>>
        %dma_wait3A_703 = arith.constant 0 : i32
        %dma_wait3A_704 = arith.constant 0 : i32
        %dma_wait3A_705 = tpu.memref_slice %arg4[%add3A_507, %dma_wait3A_703, %dma_wait3A_704] : memref<16384x50x64xf32, #tpu.memory_space<hbm>> -> memref<1x50x64xf32, #tpu.memory_space<hbm>>
        %dma_wait3A_706 = tpu.memref_squeeze %dma_wait3A_705 : memref<1x50x64xf32, #tpu.memory_space<hbm>> -> memref<50x64xf32, #tpu.memory_space<hbm>>
        %dma_wait3A_707 = arith.constant 200 : i32
        %dma_wait3A_708 = arith.constant 0 : i32
        %dma_wait3A_709 = tpu.memref_slice %arg7[%dma_wait3A_707, %dma_wait3A_708] : memref<400x64xf32, #tpu.memory_space<vmem>> -> memref<50x64xf32, #tpu.memory_space<vmem>>
        tpu.wait_dma2 semaphore(%arg11 : memref<!tpu.dma_semaphore, #tpu.memory_space<semaphore_mem>>) src(%dma_wait3A_709 : memref<50x64xf32, #tpu.memory_space<vmem>>) dst(%dma_wait3A_706 : memref<50x64xf32, #tpu.memory_space<hbm>>)
        %dma_wait3A_710 = arith.constant 250 : i32
        %dma_wait3A_711 = arith.constant 0 : i32
        %dma_wait3A_712 = tpu.memref_slice %arg7[%dma_wait3A_710, %dma_wait3A_711] : memref<400x64xf32, #tpu.memory_space<vmem>> -> memref<50x64xf32, #tpu.memory_space<vmem>>
        %dma_wait3A_713 = arith.constant 0 : i32
        %dma_wait3A_714 = arith.constant 0 : i32
        %dma_wait3A_715 = tpu.memref_slice %arg4[%add3A_512, %dma_wait3A_713, %dma_wait3A_714] : memref<16384x50x64xf32, #tpu.memory_space<hbm>> -> memref<1x50x64xf32, #tpu.memory_space<hbm>>
        %dma_wait3A_716 = tpu.memref_squeeze %dma_wait3A_715 : memref<1x50x64xf32, #tpu.memory_space<hbm>> -> memref<50x64xf32, #tpu.memory_space<hbm>>
        %dma_wait3A_717 = arith.constant 0 : i32
        %dma_wait3A_718 = arith.constant 0 : i32
        %dma_wait3A_719 = tpu.memref_slice %arg4[%add3A_512, %dma_wait3A_717, %dma_wait3A_718] : memref<16384x50x64xf32, #tpu.memory_space<hbm>> -> memref<1x50x64xf32, #tpu.memory_space<hbm>>
        %dma_wait3A_720 = tpu.memref_squeeze %dma_wait3A_719 : memref<1x50x64xf32, #tpu.memory_space<hbm>> -> memref<50x64xf32, #tpu.memory_space<hbm>>
        %dma_wait3A_721 = arith.constant 250 : i32
        %dma_wait3A_722 = arith.constant 0 : i32
        %dma_wait3A_723 = tpu.memref_slice %arg7[%dma_wait3A_721, %dma_wait3A_722] : memref<400x64xf32, #tpu.memory_space<vmem>> -> memref<50x64xf32, #tpu.memory_space<vmem>>
        tpu.wait_dma2 semaphore(%arg11 : memref<!tpu.dma_semaphore, #tpu.memory_space<semaphore_mem>>) src(%dma_wait3A_723 : memref<50x64xf32, #tpu.memory_space<vmem>>) dst(%dma_wait3A_720 : memref<50x64xf32, #tpu.memory_space<hbm>>)
        %dma_wait3A_724 = arith.constant 300 : i32
        %dma_wait3A_725 = arith.constant 0 : i32
        %dma_wait3A_726 = tpu.memref_slice %arg7[%dma_wait3A_724, %dma_wait3A_725] : memref<400x64xf32, #tpu.memory_space<vmem>> -> memref<50x64xf32, #tpu.memory_space<vmem>>
        %dma_wait3A_727 = arith.constant 0 : i32
        %dma_wait3A_728 = arith.constant 0 : i32
        %dma_wait3A_729 = tpu.memref_slice %arg4[%add3A_517, %dma_wait3A_727, %dma_wait3A_728] : memref<16384x50x64xf32, #tpu.memory_space<hbm>> -> memref<1x50x64xf32, #tpu.memory_space<hbm>>
        %dma_wait3A_730 = tpu.memref_squeeze %dma_wait3A_729 : memref<1x50x64xf32, #tpu.memory_space<hbm>> -> memref<50x64xf32, #tpu.memory_space<hbm>>
        %dma_wait3A_731 = arith.constant 0 : i32
        %dma_wait3A_732 = arith.constant 0 : i32
        %dma_wait3A_733 = tpu.memref_slice %arg4[%add3A_517, %dma_wait3A_731, %dma_wait3A_732] : memref<16384x50x64xf32, #tpu.memory_space<hbm>> -> memref<1x50x64xf32, #tpu.memory_space<hbm>>
        %dma_wait3A_734 = tpu.memref_squeeze %dma_wait3A_733 : memref<1x50x64xf32, #tpu.memory_space<hbm>> -> memref<50x64xf32, #tpu.memory_space<hbm>>
        %dma_wait3A_735 = arith.constant 300 : i32
        %dma_wait3A_736 = arith.constant 0 : i32
        %dma_wait3A_737 = tpu.memref_slice %arg7[%dma_wait3A_735, %dma_wait3A_736] : memref<400x64xf32, #tpu.memory_space<vmem>> -> memref<50x64xf32, #tpu.memory_space<vmem>>
        tpu.wait_dma2 semaphore(%arg11 : memref<!tpu.dma_semaphore, #tpu.memory_space<semaphore_mem>>) src(%dma_wait3A_737 : memref<50x64xf32, #tpu.memory_space<vmem>>) dst(%dma_wait3A_734 : memref<50x64xf32, #tpu.memory_space<hbm>>)
        %dma_wait3A_738 = arith.constant 350 : i32
        %dma_wait3A_739 = arith.constant 0 : i32
        %dma_wait3A_740 = tpu.memref_slice %arg7[%dma_wait3A_738, %dma_wait3A_739] : memref<400x64xf32, #tpu.memory_space<vmem>> -> memref<50x64xf32, #tpu.memory_space<vmem>>
        %dma_wait3A_741 = arith.constant 0 : i32
        %dma_wait3A_742 = arith.constant 0 : i32
        %dma_wait3A_743 = tpu.memref_slice %arg4[%add3A_522, %dma_wait3A_741, %dma_wait3A_742] : memref<16384x50x64xf32, #tpu.memory_space<hbm>> -> memref<1x50x64xf32, #tpu.memory_space<hbm>>
        %dma_wait3A_744 = tpu.memref_squeeze %dma_wait3A_743 : memref<1x50x64xf32, #tpu.memory_space<hbm>> -> memref<50x64xf32, #tpu.memory_space<hbm>>
        %dma_wait3A_745 = arith.constant 0 : i32
        %dma_wait3A_746 = arith.constant 0 : i32
        %dma_wait3A_747 = tpu.memref_slice %arg4[%add3A_522, %dma_wait3A_745, %dma_wait3A_746] : memref<16384x50x64xf32, #tpu.memory_space<hbm>> -> memref<1x50x64xf32, #tpu.memory_space<hbm>>
        %dma_wait3A_748 = tpu.memref_squeeze %dma_wait3A_747 : memref<1x50x64xf32, #tpu.memory_space<hbm>> -> memref<50x64xf32, #tpu.memory_space<hbm>>
        %dma_wait3A_749 = arith.constant 350 : i32
        %dma_wait3A_750 = arith.constant 0 : i32
        %dma_wait3A_751 = tpu.memref_slice %arg7[%dma_wait3A_749, %dma_wait3A_750] : memref<400x64xf32, #tpu.memory_space<vmem>> -> memref<50x64xf32, #tpu.memory_space<vmem>>
        tpu.wait_dma2 semaphore(%arg11 : memref<!tpu.dma_semaphore, #tpu.memory_space<semaphore_mem>>) src(%dma_wait3A_751 : memref<50x64xf32, #tpu.memory_space<vmem>>) dst(%dma_wait3A_748 : memref<50x64xf32, #tpu.memory_space<hbm>>)
        %add3A_752 = arith.constant 2 : i32
        %add3A_753 = arith.addi %add3A_476, %add3A_752 : i32
        %dma_start3A_754 = arith.constant 0 : i32
        %dma_start3A_755 = tpu.memref_slice %arg5[%add3A_753, %dma_start3A_754] : memref<64x400xi32, #tpu.memory_space<vmem>> -> memref<1x400xi32, #tpu.memory_space<vmem>>
        %dma_start3A_756 = tpu.memref_squeeze %dma_start3A_755 : memref<1x400xi32, #tpu.memory_space<vmem>> -> memref<400xi32, #tpu.memory_space<vmem>>
        %dma_start3A_757 = arith.constant 0 : i32
        %dma_start3A_758 = arith.constant 0 : i32
        %dma_start3A_759 = tpu.memref_slice %arg3[%dma_start3A_757, %dma_start3A_758] : memref<1007616x64xf32, #tpu.memory_space<hbm>> -> memref<1007616x64xf32, #tpu.memory_space<hbm>>
        tpu.enqueue_indirect_dma source(%dma_start3A_759 : memref<1007616x64xf32, #tpu.memory_space<hbm>>) target(%arg7 : memref<400x64xf32, #tpu.memory_space<vmem>>) offsets(%dma_start3A_756 : memref<400xi32, #tpu.memory_space<vmem>>) semaphore(%arg9 : memref<!tpu.dma_semaphore, #tpu.memory_space<semaphore_mem>>)
      } else {
      }
    }
    %scan3A_20 = arith.constant 32 : i32
    %add3A_21 = arith.constant 496 : i32
    %add3A_22 = arith.addi %mul3A_2, %add3A_21 : i32
    %add3A_23 = arith.constant 0 : i32
    %add3A_24 = arith.addi %add3A_22, %add3A_23 : i32
    %add3A_25 = arith.constant 496 : i32
    %add3A_26 = arith.addi %mul3A_2, %add3A_25 : i32
    %add3A_27 = arith.constant 1 : i32
    %add3A_28 = arith.addi %add3A_26, %add3A_27 : i32
    %add3A_29 = arith.constant 496 : i32
    %add3A_30 = arith.addi %mul3A_2, %add3A_29 : i32
    %add3A_31 = arith.constant 2 : i32
    %add3A_32 = arith.addi %add3A_30, %add3A_31 : i32
    %add3A_33 = arith.constant 496 : i32
    %add3A_34 = arith.addi %mul3A_2, %add3A_33 : i32
    %add3A_35 = arith.constant 3 : i32
    %add3A_36 = arith.addi %add3A_34, %add3A_35 : i32
    %add3A_37 = arith.constant 496 : i32
    %add3A_38 = arith.addi %mul3A_2, %add3A_37 : i32
    %add3A_39 = arith.constant 4 : i32
    %add3A_40 = arith.addi %add3A_38, %add3A_39 : i32
    %add3A_41 = arith.constant 496 : i32
    %add3A_42 = arith.addi %mul3A_2, %add3A_41 : i32
    %add3A_43 = arith.constant 5 : i32
    %add3A_44 = arith.addi %add3A_42, %add3A_43 : i32
    %add3A_45 = arith.constant 496 : i32
    %add3A_46 = arith.addi %mul3A_2, %add3A_45 : i32
    %add3A_47 = arith.constant 6 : i32
    %add3A_48 = arith.addi %add3A_46, %add3A_47 : i32
    %add3A_49 = arith.constant 496 : i32
    %add3A_50 = arith.addi %mul3A_2, %add3A_49 : i32
    %add3A_51 = arith.constant 7 : i32
    %add3A_52 = arith.addi %add3A_50, %add3A_51 : i32
    %dma_wait3A = arith.constant 0 : i32
    %dma_wait3A_53 = arith.constant 0 : i32
    %dma_wait3A_54 = tpu.memref_slice %arg6[%dma_wait3A, %dma_wait3A_53] : memref<400x64xf32, #tpu.memory_space<vmem>> -> memref<50x64xf32, #tpu.memory_space<vmem>>
    %dma_wait3A_55 = arith.constant 0 : i32
    %dma_wait3A_56 = arith.constant 0 : i32
    %dma_wait3A_57 = tpu.memref_slice %arg4[%add3A_24, %dma_wait3A_55, %dma_wait3A_56] : memref<16384x50x64xf32, #tpu.memory_space<hbm>> -> memref<1x50x64xf32, #tpu.memory_space<hbm>>
    %dma_wait3A_58 = tpu.memref_squeeze %dma_wait3A_57 : memref<1x50x64xf32, #tpu.memory_space<hbm>> -> memref<50x64xf32, #tpu.memory_space<hbm>>
    %dma_wait3A_59 = arith.constant 0 : i32
    %dma_wait3A_60 = arith.constant 0 : i32
    %dma_wait3A_61 = tpu.memref_slice %arg4[%add3A_24, %dma_wait3A_59, %dma_wait3A_60] : memref<16384x50x64xf32, #tpu.memory_space<hbm>> -> memref<1x50x64xf32, #tpu.memory_space<hbm>>
    %dma_wait3A_62 = tpu.memref_squeeze %dma_wait3A_61 : memref<1x50x64xf32, #tpu.memory_space<hbm>> -> memref<50x64xf32, #tpu.memory_space<hbm>>
    %dma_wait3A_63 = arith.constant 0 : i32
    %dma_wait3A_64 = arith.constant 0 : i32
    %dma_wait3A_65 = tpu.memref_slice %arg6[%dma_wait3A_63, %dma_wait3A_64] : memref<400x64xf32, #tpu.memory_space<vmem>> -> memref<50x64xf32, #tpu.memory_space<vmem>>
    tpu.wait_dma2 semaphore(%arg10 : memref<!tpu.dma_semaphore, #tpu.memory_space<semaphore_mem>>) src(%dma_wait3A_65 : memref<50x64xf32, #tpu.memory_space<vmem>>) dst(%dma_wait3A_62 : memref<50x64xf32, #tpu.memory_space<hbm>>)
    %dma_wait3A_66 = arith.constant 50 : i32
    %dma_wait3A_67 = arith.constant 0 : i32
    %dma_wait3A_68 = tpu.memref_slice %arg6[%dma_wait3A_66, %dma_wait3A_67] : memref<400x64xf32, #tpu.memory_space<vmem>> -> memref<50x64xf32, #tpu.memory_space<vmem>>
    %dma_wait3A_69 = arith.constant 0 : i32
    %dma_wait3A_70 = arith.constant 0 : i32
    %dma_wait3A_71 = tpu.memref_slice %arg4[%add3A_28, %dma_wait3A_69, %dma_wait3A_70] : memref<16384x50x64xf32, #tpu.memory_space<hbm>> -> memref<1x50x64xf32, #tpu.memory_space<hbm>>
    %dma_wait3A_72 = tpu.memref_squeeze %dma_wait3A_71 : memref<1x50x64xf32, #tpu.memory_space<hbm>> -> memref<50x64xf32, #tpu.memory_space<hbm>>
    %dma_wait3A_73 = arith.constant 0 : i32
    %dma_wait3A_74 = arith.constant 0 : i32
    %dma_wait3A_75 = tpu.memref_slice %arg4[%add3A_28, %dma_wait3A_73, %dma_wait3A_74] : memref<16384x50x64xf32, #tpu.memory_space<hbm>> -> memref<1x50x64xf32, #tpu.memory_space<hbm>>
    %dma_wait3A_76 = tpu.memref_squeeze %dma_wait3A_75 : memref<1x50x64xf32, #tpu.memory_space<hbm>> -> memref<50x64xf32, #tpu.memory_space<hbm>>
    %dma_wait3A_77 = arith.constant 50 : i32
    %dma_wait3A_78 = arith.constant 0 : i32
    %dma_wait3A_79 = tpu.memref_slice %arg6[%dma_wait3A_77, %dma_wait3A_78] : memref<400x64xf32, #tpu.memory_space<vmem>> -> memref<50x64xf32, #tpu.memory_space<vmem>>
    tpu.wait_dma2 semaphore(%arg10 : memref<!tpu.dma_semaphore, #tpu.memory_space<semaphore_mem>>) src(%dma_wait3A_79 : memref<50x64xf32, #tpu.memory_space<vmem>>) dst(%dma_wait3A_76 : memref<50x64xf32, #tpu.memory_space<hbm>>)
    %dma_wait3A_80 = arith.constant 100 : i32
    %dma_wait3A_81 = arith.constant 0 : i32
    %dma_wait3A_82 = tpu.memref_slice %arg6[%dma_wait3A_80, %dma_wait3A_81] : memref<400x64xf32, #tpu.memory_space<vmem>> -> memref<50x64xf32, #tpu.memory_space<vmem>>
    %dma_wait3A_83 = arith.constant 0 : i32
    %dma_wait3A_84 = arith.constant 0 : i32
    %dma_wait3A_85 = tpu.memref_slice %arg4[%add3A_32, %dma_wait3A_83, %dma_wait3A_84] : memref<16384x50x64xf32, #tpu.memory_space<hbm>> -> memref<1x50x64xf32, #tpu.memory_space<hbm>>
    %dma_wait3A_86 = tpu.memref_squeeze %dma_wait3A_85 : memref<1x50x64xf32, #tpu.memory_space<hbm>> -> memref<50x64xf32, #tpu.memory_space<hbm>>
    %dma_wait3A_87 = arith.constant 0 : i32
    %dma_wait3A_88 = arith.constant 0 : i32
    %dma_wait3A_89 = tpu.memref_slice %arg4[%add3A_32, %dma_wait3A_87, %dma_wait3A_88] : memref<16384x50x64xf32, #tpu.memory_space<hbm>> -> memref<1x50x64xf32, #tpu.memory_space<hbm>>
    %dma_wait3A_90 = tpu.memref_squeeze %dma_wait3A_89 : memref<1x50x64xf32, #tpu.memory_space<hbm>> -> memref<50x64xf32, #tpu.memory_space<hbm>>
    %dma_wait3A_91 = arith.constant 100 : i32
    %dma_wait3A_92 = arith.constant 0 : i32
    %dma_wait3A_93 = tpu.memref_slice %arg6[%dma_wait3A_91, %dma_wait3A_92] : memref<400x64xf32, #tpu.memory_space<vmem>> -> memref<50x64xf32, #tpu.memory_space<vmem>>
    tpu.wait_dma2 semaphore(%arg10 : memref<!tpu.dma_semaphore, #tpu.memory_space<semaphore_mem>>) src(%dma_wait3A_93 : memref<50x64xf32, #tpu.memory_space<vmem>>) dst(%dma_wait3A_90 : memref<50x64xf32, #tpu.memory_space<hbm>>)
    %dma_wait3A_94 = arith.constant 150 : i32
    %dma_wait3A_95 = arith.constant 0 : i32
    %dma_wait3A_96 = tpu.memref_slice %arg6[%dma_wait3A_94, %dma_wait3A_95] : memref<400x64xf32, #tpu.memory_space<vmem>> -> memref<50x64xf32, #tpu.memory_space<vmem>>
    %dma_wait3A_97 = arith.constant 0 : i32
    %dma_wait3A_98 = arith.constant 0 : i32
    %dma_wait3A_99 = tpu.memref_slice %arg4[%add3A_36, %dma_wait3A_97, %dma_wait3A_98] : memref<16384x50x64xf32, #tpu.memory_space<hbm>> -> memref<1x50x64xf32, #tpu.memory_space<hbm>>
    %dma_wait3A_100 = tpu.memref_squeeze %dma_wait3A_99 : memref<1x50x64xf32, #tpu.memory_space<hbm>> -> memref<50x64xf32, #tpu.memory_space<hbm>>
    %dma_wait3A_101 = arith.constant 0 : i32
    %dma_wait3A_102 = arith.constant 0 : i32
    %dma_wait3A_103 = tpu.memref_slice %arg4[%add3A_36, %dma_wait3A_101, %dma_wait3A_102] : memref<16384x50x64xf32, #tpu.memory_space<hbm>> -> memref<1x50x64xf32, #tpu.memory_space<hbm>>
    %dma_wait3A_104 = tpu.memref_squeeze %dma_wait3A_103 : memref<1x50x64xf32, #tpu.memory_space<hbm>> -> memref<50x64xf32, #tpu.memory_space<hbm>>
    %dma_wait3A_105 = arith.constant 150 : i32
    %dma_wait3A_106 = arith.constant 0 : i32
    %dma_wait3A_107 = tpu.memref_slice %arg6[%dma_wait3A_105, %dma_wait3A_106] : memref<400x64xf32, #tpu.memory_space<vmem>> -> memref<50x64xf32, #tpu.memory_space<vmem>>
    tpu.wait_dma2 semaphore(%arg10 : memref<!tpu.dma_semaphore, #tpu.memory_space<semaphore_mem>>) src(%dma_wait3A_107 : memref<50x64xf32, #tpu.memory_space<vmem>>) dst(%dma_wait3A_104 : memref<50x64xf32, #tpu.memory_space<hbm>>)
    %dma_wait3A_108 = arith.constant 200 : i32
    %dma_wait3A_109 = arith.constant 0 : i32
    %dma_wait3A_110 = tpu.memref_slice %arg6[%dma_wait3A_108, %dma_wait3A_109] : memref<400x64xf32, #tpu.memory_space<vmem>> -> memref<50x64xf32, #tpu.memory_space<vmem>>
    %dma_wait3A_111 = arith.constant 0 : i32
    %dma_wait3A_112 = arith.constant 0 : i32
    %dma_wait3A_113 = tpu.memref_slice %arg4[%add3A_40, %dma_wait3A_111, %dma_wait3A_112] : memref<16384x50x64xf32, #tpu.memory_space<hbm>> -> memref<1x50x64xf32, #tpu.memory_space<hbm>>
    %dma_wait3A_114 = tpu.memref_squeeze %dma_wait3A_113 : memref<1x50x64xf32, #tpu.memory_space<hbm>> -> memref<50x64xf32, #tpu.memory_space<hbm>>
    %dma_wait3A_115 = arith.constant 0 : i32
    %dma_wait3A_116 = arith.constant 0 : i32
    %dma_wait3A_117 = tpu.memref_slice %arg4[%add3A_40, %dma_wait3A_115, %dma_wait3A_116] : memref<16384x50x64xf32, #tpu.memory_space<hbm>> -> memref<1x50x64xf32, #tpu.memory_space<hbm>>
    %dma_wait3A_118 = tpu.memref_squeeze %dma_wait3A_117 : memref<1x50x64xf32, #tpu.memory_space<hbm>> -> memref<50x64xf32, #tpu.memory_space<hbm>>
    %dma_wait3A_119 = arith.constant 200 : i32
    %dma_wait3A_120 = arith.constant 0 : i32
    %dma_wait3A_121 = tpu.memref_slice %arg6[%dma_wait3A_119, %dma_wait3A_120] : memref<400x64xf32, #tpu.memory_space<vmem>> -> memref<50x64xf32, #tpu.memory_space<vmem>>
    tpu.wait_dma2 semaphore(%arg10 : memref<!tpu.dma_semaphore, #tpu.memory_space<semaphore_mem>>) src(%dma_wait3A_121 : memref<50x64xf32, #tpu.memory_space<vmem>>) dst(%dma_wait3A_118 : memref<50x64xf32, #tpu.memory_space<hbm>>)
    %dma_wait3A_122 = arith.constant 250 : i32
    %dma_wait3A_123 = arith.constant 0 : i32
    %dma_wait3A_124 = tpu.memref_slice %arg6[%dma_wait3A_122, %dma_wait3A_123] : memref<400x64xf32, #tpu.memory_space<vmem>> -> memref<50x64xf32, #tpu.memory_space<vmem>>
    %dma_wait3A_125 = arith.constant 0 : i32
    %dma_wait3A_126 = arith.constant 0 : i32
    %dma_wait3A_127 = tpu.memref_slice %arg4[%add3A_44, %dma_wait3A_125, %dma_wait3A_126] : memref<16384x50x64xf32, #tpu.memory_space<hbm>> -> memref<1x50x64xf32, #tpu.memory_space<hbm>>
    %dma_wait3A_128 = tpu.memref_squeeze %dma_wait3A_127 : memref<1x50x64xf32, #tpu.memory_space<hbm>> -> memref<50x64xf32, #tpu.memory_space<hbm>>
    %dma_wait3A_129 = arith.constant 0 : i32
    %dma_wait3A_130 = arith.constant 0 : i32
    %dma_wait3A_131 = tpu.memref_slice %arg4[%add3A_44, %dma_wait3A_129, %dma_wait3A_130] : memref<16384x50x64xf32, #tpu.memory_space<hbm>> -> memref<1x50x64xf32, #tpu.memory_space<hbm>>
    %dma_wait3A_132 = tpu.memref_squeeze %dma_wait3A_131 : memref<1x50x64xf32, #tpu.memory_space<hbm>> -> memref<50x64xf32, #tpu.memory_space<hbm>>
    %dma_wait3A_133 = arith.constant 250 : i32
    %dma_wait3A_134 = arith.constant 0 : i32
    %dma_wait3A_135 = tpu.memref_slice %arg6[%dma_wait3A_133, %dma_wait3A_134] : memref<400x64xf32, #tpu.memory_space<vmem>> -> memref<50x64xf32, #tpu.memory_space<vmem>>
    tpu.wait_dma2 semaphore(%arg10 : memref<!tpu.dma_semaphore, #tpu.memory_space<semaphore_mem>>) src(%dma_wait3A_135 : memref<50x64xf32, #tpu.memory_space<vmem>>) dst(%dma_wait3A_132 : memref<50x64xf32, #tpu.memory_space<hbm>>)
    %dma_wait3A_136 = arith.constant 300 : i32
    %dma_wait3A_137 = arith.constant 0 : i32
    %dma_wait3A_138 = tpu.memref_slice %arg6[%dma_wait3A_136, %dma_wait3A_137] : memref<400x64xf32, #tpu.memory_space<vmem>> -> memref<50x64xf32, #tpu.memory_space<vmem>>
    %dma_wait3A_139 = arith.constant 0 : i32
    %dma_wait3A_140 = arith.constant 0 : i32
    %dma_wait3A_141 = tpu.memref_slice %arg4[%add3A_48, %dma_wait3A_139, %dma_wait3A_140] : memref<16384x50x64xf32, #tpu.memory_space<hbm>> -> memref<1x50x64xf32, #tpu.memory_space<hbm>>
    %dma_wait3A_142 = tpu.memref_squeeze %dma_wait3A_141 : memref<1x50x64xf32, #tpu.memory_space<hbm>> -> memref<50x64xf32, #tpu.memory_space<hbm>>
    %dma_wait3A_143 = arith.constant 0 : i32
    %dma_wait3A_144 = arith.constant 0 : i32
    %dma_wait3A_145 = tpu.memref_slice %arg4[%add3A_48, %dma_wait3A_143, %dma_wait3A_144] : memref<16384x50x64xf32, #tpu.memory_space<hbm>> -> memref<1x50x64xf32, #tpu.memory_space<hbm>>
    %dma_wait3A_146 = tpu.memref_squeeze %dma_wait3A_145 : memref<1x50x64xf32, #tpu.memory_space<hbm>> -> memref<50x64xf32, #tpu.memory_space<hbm>>
    %dma_wait3A_147 = arith.constant 300 : i32
    %dma_wait3A_148 = arith.constant 0 : i32
    %dma_wait3A_149 = tpu.memref_slice %arg6[%dma_wait3A_147, %dma_wait3A_148] : memref<400x64xf32, #tpu.memory_space<vmem>> -> memref<50x64xf32, #tpu.memory_space<vmem>>
    tpu.wait_dma2 semaphore(%arg10 : memref<!tpu.dma_semaphore, #tpu.memory_space<semaphore_mem>>) src(%dma_wait3A_149 : memref<50x64xf32, #tpu.memory_space<vmem>>) dst(%dma_wait3A_146 : memref<50x64xf32, #tpu.memory_space<hbm>>)
    %dma_wait3A_150 = arith.constant 350 : i32
    %dma_wait3A_151 = arith.constant 0 : i32
    %dma_wait3A_152 = tpu.memref_slice %arg6[%dma_wait3A_150, %dma_wait3A_151] : memref<400x64xf32, #tpu.memory_space<vmem>> -> memref<50x64xf32, #tpu.memory_space<vmem>>
    %dma_wait3A_153 = arith.constant 0 : i32
    %dma_wait3A_154 = arith.constant 0 : i32
    %dma_wait3A_155 = tpu.memref_slice %arg4[%add3A_52, %dma_wait3A_153, %dma_wait3A_154] : memref<16384x50x64xf32, #tpu.memory_space<hbm>> -> memref<1x50x64xf32, #tpu.memory_space<hbm>>
    %dma_wait3A_156 = tpu.memref_squeeze %dma_wait3A_155 : memref<1x50x64xf32, #tpu.memory_space<hbm>> -> memref<50x64xf32, #tpu.memory_space<hbm>>
    %dma_wait3A_157 = arith.constant 0 : i32
    %dma_wait3A_158 = arith.constant 0 : i32
    %dma_wait3A_159 = tpu.memref_slice %arg4[%add3A_52, %dma_wait3A_157, %dma_wait3A_158] : memref<16384x50x64xf32, #tpu.memory_space<hbm>> -> memref<1x50x64xf32, #tpu.memory_space<hbm>>
    %dma_wait3A_160 = tpu.memref_squeeze %dma_wait3A_159 : memref<1x50x64xf32, #tpu.memory_space<hbm>> -> memref<50x64xf32, #tpu.memory_space<hbm>>
    %dma_wait3A_161 = arith.constant 350 : i32
    %dma_wait3A_162 = arith.constant 0 : i32
    %dma_wait3A_163 = tpu.memref_slice %arg6[%dma_wait3A_161, %dma_wait3A_162] : memref<400x64xf32, #tpu.memory_space<vmem>> -> memref<50x64xf32, #tpu.memory_space<vmem>>
    tpu.wait_dma2 semaphore(%arg10 : memref<!tpu.dma_semaphore, #tpu.memory_space<semaphore_mem>>) src(%dma_wait3A_163 : memref<50x64xf32, #tpu.memory_space<vmem>>) dst(%dma_wait3A_160 : memref<50x64xf32, #tpu.memory_space<hbm>>)
    %add3A_164 = arith.constant 504 : i32
    %add3A_165 = arith.addi %mul3A_2, %add3A_164 : i32
    %add3A_166 = arith.constant 0 : i32
    %add3A_167 = arith.addi %add3A_165, %add3A_166 : i32
    %add3A_168 = arith.constant 504 : i32
    %add3A_169 = arith.addi %mul3A_2, %add3A_168 : i32
    %add3A_170 = arith.constant 1 : i32
    %add3A_171 = arith.addi %add3A_169, %add3A_170 : i32
    %add3A_172 = arith.constant 504 : i32
    %add3A_173 = arith.addi %mul3A_2, %add3A_172 : i32
    %add3A_174 = arith.constant 2 : i32
    %add3A_175 = arith.addi %add3A_173, %add3A_174 : i32
    %add3A_176 = arith.constant 504 : i32
    %add3A_177 = arith.addi %mul3A_2, %add3A_176 : i32
    %add3A_178 = arith.constant 3 : i32
    %add3A_179 = arith.addi %add3A_177, %add3A_178 : i32
    %add3A_180 = arith.constant 504 : i32
    %add3A_181 = arith.addi %mul3A_2, %add3A_180 : i32
    %add3A_182 = arith.constant 4 : i32
    %add3A_183 = arith.addi %add3A_181, %add3A_182 : i32
    %add3A_184 = arith.constant 504 : i32
    %add3A_185 = arith.addi %mul3A_2, %add3A_184 : i32
    %add3A_186 = arith.constant 5 : i32
    %add3A_187 = arith.addi %add3A_185, %add3A_186 : i32
    %add3A_188 = arith.constant 504 : i32
    %add3A_189 = arith.addi %mul3A_2, %add3A_188 : i32
    %add3A_190 = arith.constant 6 : i32
    %add3A_191 = arith.addi %add3A_189, %add3A_190 : i32
    %add3A_192 = arith.constant 504 : i32
    %add3A_193 = arith.addi %mul3A_2, %add3A_192 : i32
    %add3A_194 = arith.constant 7 : i32
    %add3A_195 = arith.addi %add3A_193, %add3A_194 : i32
    %dma_wait3A_196 = arith.constant 0 : i32
    %dma_wait3A_197 = arith.constant 0 : i32
    %dma_wait3A_198 = tpu.memref_slice %arg7[%dma_wait3A_196, %dma_wait3A_197] : memref<400x64xf32, #tpu.memory_space<vmem>> -> memref<50x64xf32, #tpu.memory_space<vmem>>
    %dma_wait3A_199 = arith.constant 0 : i32
    %dma_wait3A_200 = arith.constant 0 : i32
    %dma_wait3A_201 = tpu.memref_slice %arg4[%add3A_167, %dma_wait3A_199, %dma_wait3A_200] : memref<16384x50x64xf32, #tpu.memory_space<hbm>> -> memref<1x50x64xf32, #tpu.memory_space<hbm>>
    %dma_wait3A_202 = tpu.memref_squeeze %dma_wait3A_201 : memref<1x50x64xf32, #tpu.memory_space<hbm>> -> memref<50x64xf32, #tpu.memory_space<hbm>>
    %dma_wait3A_203 = arith.constant 0 : i32
    %dma_wait3A_204 = arith.constant 0 : i32
    %dma_wait3A_205 = tpu.memref_slice %arg4[%add3A_167, %dma_wait3A_203, %dma_wait3A_204] : memref<16384x50x64xf32, #tpu.memory_space<hbm>> -> memref<1x50x64xf32, #tpu.memory_space<hbm>>
    %dma_wait3A_206 = tpu.memref_squeeze %dma_wait3A_205 : memref<1x50x64xf32, #tpu.memory_space<hbm>> -> memref<50x64xf32, #tpu.memory_space<hbm>>
    %dma_wait3A_207 = arith.constant 0 : i32
    %dma_wait3A_208 = arith.constant 0 : i32
    %dma_wait3A_209 = tpu.memref_slice %arg7[%dma_wait3A_207, %dma_wait3A_208] : memref<400x64xf32, #tpu.memory_space<vmem>> -> memref<50x64xf32, #tpu.memory_space<vmem>>
    tpu.wait_dma2 semaphore(%arg11 : memref<!tpu.dma_semaphore, #tpu.memory_space<semaphore_mem>>) src(%dma_wait3A_209 : memref<50x64xf32, #tpu.memory_space<vmem>>) dst(%dma_wait3A_206 : memref<50x64xf32, #tpu.memory_space<hbm>>)
    %dma_wait3A_210 = arith.constant 50 : i32
    %dma_wait3A_211 = arith.constant 0 : i32
    %dma_wait3A_212 = tpu.memref_slice %arg7[%dma_wait3A_210, %dma_wait3A_211] : memref<400x64xf32, #tpu.memory_space<vmem>> -> memref<50x64xf32, #tpu.memory_space<vmem>>
    %dma_wait3A_213 = arith.constant 0 : i32
    %dma_wait3A_214 = arith.constant 0 : i32
    %dma_wait3A_215 = tpu.memref_slice %arg4[%add3A_171, %dma_wait3A_213, %dma_wait3A_214] : memref<16384x50x64xf32, #tpu.memory_space<hbm>> -> memref<1x50x64xf32, #tpu.memory_space<hbm>>
    %dma_wait3A_216 = tpu.memref_squeeze %dma_wait3A_215 : memref<1x50x64xf32, #tpu.memory_space<hbm>> -> memref<50x64xf32, #tpu.memory_space<hbm>>
    %dma_wait3A_217 = arith.constant 0 : i32
    %dma_wait3A_218 = arith.constant 0 : i32
    %dma_wait3A_219 = tpu.memref_slice %arg4[%add3A_171, %dma_wait3A_217, %dma_wait3A_218] : memref<16384x50x64xf32, #tpu.memory_space<hbm>> -> memref<1x50x64xf32, #tpu.memory_space<hbm>>
    %dma_wait3A_220 = tpu.memref_squeeze %dma_wait3A_219 : memref<1x50x64xf32, #tpu.memory_space<hbm>> -> memref<50x64xf32, #tpu.memory_space<hbm>>
    %dma_wait3A_221 = arith.constant 50 : i32
    %dma_wait3A_222 = arith.constant 0 : i32
    %dma_wait3A_223 = tpu.memref_slice %arg7[%dma_wait3A_221, %dma_wait3A_222] : memref<400x64xf32, #tpu.memory_space<vmem>> -> memref<50x64xf32, #tpu.memory_space<vmem>>
    tpu.wait_dma2 semaphore(%arg11 : memref<!tpu.dma_semaphore, #tpu.memory_space<semaphore_mem>>) src(%dma_wait3A_223 : memref<50x64xf32, #tpu.memory_space<vmem>>) dst(%dma_wait3A_220 : memref<50x64xf32, #tpu.memory_space<hbm>>)
    %dma_wait3A_224 = arith.constant 100 : i32
    %dma_wait3A_225 = arith.constant 0 : i32
    %dma_wait3A_226 = tpu.memref_slice %arg7[%dma_wait3A_224, %dma_wait3A_225] : memref<400x64xf32, #tpu.memory_space<vmem>> -> memref<50x64xf32, #tpu.memory_space<vmem>>
    %dma_wait3A_227 = arith.constant 0 : i32
    %dma_wait3A_228 = arith.constant 0 : i32
    %dma_wait3A_229 = tpu.memref_slice %arg4[%add3A_175, %dma_wait3A_227, %dma_wait3A_228] : memref<16384x50x64xf32, #tpu.memory_space<hbm>> -> memref<1x50x64xf32, #tpu.memory_space<hbm>>
    %dma_wait3A_230 = tpu.memref_squeeze %dma_wait3A_229 : memref<1x50x64xf32, #tpu.memory_space<hbm>> -> memref<50x64xf32, #tpu.memory_space<hbm>>
    %dma_wait3A_231 = arith.constant 0 : i32
    %dma_wait3A_232 = arith.constant 0 : i32
    %dma_wait3A_233 = tpu.memref_slice %arg4[%add3A_175, %dma_wait3A_231, %dma_wait3A_232] : memref<16384x50x64xf32, #tpu.memory_space<hbm>> -> memref<1x50x64xf32, #tpu.memory_space<hbm>>
    %dma_wait3A_234 = tpu.memref_squeeze %dma_wait3A_233 : memref<1x50x64xf32, #tpu.memory_space<hbm>> -> memref<50x64xf32, #tpu.memory_space<hbm>>
    %dma_wait3A_235 = arith.constant 100 : i32
    %dma_wait3A_236 = arith.constant 0 : i32
    %dma_wait3A_237 = tpu.memref_slice %arg7[%dma_wait3A_235, %dma_wait3A_236] : memref<400x64xf32, #tpu.memory_space<vmem>> -> memref<50x64xf32, #tpu.memory_space<vmem>>
    tpu.wait_dma2 semaphore(%arg11 : memref<!tpu.dma_semaphore, #tpu.memory_space<semaphore_mem>>) src(%dma_wait3A_237 : memref<50x64xf32, #tpu.memory_space<vmem>>) dst(%dma_wait3A_234 : memref<50x64xf32, #tpu.memory_space<hbm>>)
    %dma_wait3A_238 = arith.constant 150 : i32
    %dma_wait3A_239 = arith.constant 0 : i32
    %dma_wait3A_240 = tpu.memref_slice %arg7[%dma_wait3A_238, %dma_wait3A_239] : memref<400x64xf32, #tpu.memory_space<vmem>> -> memref<50x64xf32, #tpu.memory_space<vmem>>
    %dma_wait3A_241 = arith.constant 0 : i32
    %dma_wait3A_242 = arith.constant 0 : i32
    %dma_wait3A_243 = tpu.memref_slice %arg4[%add3A_179, %dma_wait3A_241, %dma_wait3A_242] : memref<16384x50x64xf32, #tpu.memory_space<hbm>> -> memref<1x50x64xf32, #tpu.memory_space<hbm>>
    %dma_wait3A_244 = tpu.memref_squeeze %dma_wait3A_243 : memref<1x50x64xf32, #tpu.memory_space<hbm>> -> memref<50x64xf32, #tpu.memory_space<hbm>>
    %dma_wait3A_245 = arith.constant 0 : i32
    %dma_wait3A_246 = arith.constant 0 : i32
    %dma_wait3A_247 = tpu.memref_slice %arg4[%add3A_179, %dma_wait3A_245, %dma_wait3A_246] : memref<16384x50x64xf32, #tpu.memory_space<hbm>> -> memref<1x50x64xf32, #tpu.memory_space<hbm>>
    %dma_wait3A_248 = tpu.memref_squeeze %dma_wait3A_247 : memref<1x50x64xf32, #tpu.memory_space<hbm>> -> memref<50x64xf32, #tpu.memory_space<hbm>>
    %dma_wait3A_249 = arith.constant 150 : i32
    %dma_wait3A_250 = arith.constant 0 : i32
    %dma_wait3A_251 = tpu.memref_slice %arg7[%dma_wait3A_249, %dma_wait3A_250] : memref<400x64xf32, #tpu.memory_space<vmem>> -> memref<50x64xf32, #tpu.memory_space<vmem>>
    tpu.wait_dma2 semaphore(%arg11 : memref<!tpu.dma_semaphore, #tpu.memory_space<semaphore_mem>>) src(%dma_wait3A_251 : memref<50x64xf32, #tpu.memory_space<vmem>>) dst(%dma_wait3A_248 : memref<50x64xf32, #tpu.memory_space<hbm>>)
    %dma_wait3A_252 = arith.constant 200 : i32
    %dma_wait3A_253 = arith.constant 0 : i32
    %dma_wait3A_254 = tpu.memref_slice %arg7[%dma_wait3A_252, %dma_wait3A_253] : memref<400x64xf32, #tpu.memory_space<vmem>> -> memref<50x64xf32, #tpu.memory_space<vmem>>
    %dma_wait3A_255 = arith.constant 0 : i32
    %dma_wait3A_256 = arith.constant 0 : i32
    %dma_wait3A_257 = tpu.memref_slice %arg4[%add3A_183, %dma_wait3A_255, %dma_wait3A_256] : memref<16384x50x64xf32, #tpu.memory_space<hbm>> -> memref<1x50x64xf32, #tpu.memory_space<hbm>>
    %dma_wait3A_258 = tpu.memref_squeeze %dma_wait3A_257 : memref<1x50x64xf32, #tpu.memory_space<hbm>> -> memref<50x64xf32, #tpu.memory_space<hbm>>
    %dma_wait3A_259 = arith.constant 0 : i32
    %dma_wait3A_260 = arith.constant 0 : i32
    %dma_wait3A_261 = tpu.memref_slice %arg4[%add3A_183, %dma_wait3A_259, %dma_wait3A_260] : memref<16384x50x64xf32, #tpu.memory_space<hbm>> -> memref<1x50x64xf32, #tpu.memory_space<hbm>>
    %dma_wait3A_262 = tpu.memref_squeeze %dma_wait3A_261 : memref<1x50x64xf32, #tpu.memory_space<hbm>> -> memref<50x64xf32, #tpu.memory_space<hbm>>
    %dma_wait3A_263 = arith.constant 200 : i32
    %dma_wait3A_264 = arith.constant 0 : i32
    %dma_wait3A_265 = tpu.memref_slice %arg7[%dma_wait3A_263, %dma_wait3A_264] : memref<400x64xf32, #tpu.memory_space<vmem>> -> memref<50x64xf32, #tpu.memory_space<vmem>>
    tpu.wait_dma2 semaphore(%arg11 : memref<!tpu.dma_semaphore, #tpu.memory_space<semaphore_mem>>) src(%dma_wait3A_265 : memref<50x64xf32, #tpu.memory_space<vmem>>) dst(%dma_wait3A_262 : memref<50x64xf32, #tpu.memory_space<hbm>>)
    %dma_wait3A_266 = arith.constant 250 : i32
    %dma_wait3A_267 = arith.constant 0 : i32
    %dma_wait3A_268 = tpu.memref_slice %arg7[%dma_wait3A_266, %dma_wait3A_267] : memref<400x64xf32, #tpu.memory_space<vmem>> -> memref<50x64xf32, #tpu.memory_space<vmem>>
    %dma_wait3A_269 = arith.constant 0 : i32
    %dma_wait3A_270 = arith.constant 0 : i32
    %dma_wait3A_271 = tpu.memref_slice %arg4[%add3A_187, %dma_wait3A_269, %dma_wait3A_270] : memref<16384x50x64xf32, #tpu.memory_space<hbm>> -> memref<1x50x64xf32, #tpu.memory_space<hbm>>
    %dma_wait3A_272 = tpu.memref_squeeze %dma_wait3A_271 : memref<1x50x64xf32, #tpu.memory_space<hbm>> -> memref<50x64xf32, #tpu.memory_space<hbm>>
    %dma_wait3A_273 = arith.constant 0 : i32
    %dma_wait3A_274 = arith.constant 0 : i32
    %dma_wait3A_275 = tpu.memref_slice %arg4[%add3A_187, %dma_wait3A_273, %dma_wait3A_274] : memref<16384x50x64xf32, #tpu.memory_space<hbm>> -> memref<1x50x64xf32, #tpu.memory_space<hbm>>
    %dma_wait3A_276 = tpu.memref_squeeze %dma_wait3A_275 : memref<1x50x64xf32, #tpu.memory_space<hbm>> -> memref<50x64xf32, #tpu.memory_space<hbm>>
    %dma_wait3A_277 = arith.constant 250 : i32
    %dma_wait3A_278 = arith.constant 0 : i32
    %dma_wait3A_279 = tpu.memref_slice %arg7[%dma_wait3A_277, %dma_wait3A_278] : memref<400x64xf32, #tpu.memory_space<vmem>> -> memref<50x64xf32, #tpu.memory_space<vmem>>
    tpu.wait_dma2 semaphore(%arg11 : memref<!tpu.dma_semaphore, #tpu.memory_space<semaphore_mem>>) src(%dma_wait3A_279 : memref<50x64xf32, #tpu.memory_space<vmem>>) dst(%dma_wait3A_276 : memref<50x64xf32, #tpu.memory_space<hbm>>)
    %dma_wait3A_280 = arith.constant 300 : i32
    %dma_wait3A_281 = arith.constant 0 : i32
    %dma_wait3A_282 = tpu.memref_slice %arg7[%dma_wait3A_280, %dma_wait3A_281] : memref<400x64xf32, #tpu.memory_space<vmem>> -> memref<50x64xf32, #tpu.memory_space<vmem>>
    %dma_wait3A_283 = arith.constant 0 : i32
    %dma_wait3A_284 = arith.constant 0 : i32
    %dma_wait3A_285 = tpu.memref_slice %arg4[%add3A_191, %dma_wait3A_283, %dma_wait3A_284] : memref<16384x50x64xf32, #tpu.memory_space<hbm>> -> memref<1x50x64xf32, #tpu.memory_space<hbm>>
    %dma_wait3A_286 = tpu.memref_squeeze %dma_wait3A_285 : memref<1x50x64xf32, #tpu.memory_space<hbm>> -> memref<50x64xf32, #tpu.memory_space<hbm>>
    %dma_wait3A_287 = arith.constant 0 : i32
    %dma_wait3A_288 = arith.constant 0 : i32
    %dma_wait3A_289 = tpu.memref_slice %arg4[%add3A_191, %dma_wait3A_287, %dma_wait3A_288] : memref<16384x50x64xf32, #tpu.memory_space<hbm>> -> memref<1x50x64xf32, #tpu.memory_space<hbm>>
    %dma_wait3A_290 = tpu.memref_squeeze %dma_wait3A_289 : memref<1x50x64xf32, #tpu.memory_space<hbm>> -> memref<50x64xf32, #tpu.memory_space<hbm>>
    %dma_wait3A_291 = arith.constant 300 : i32
    %dma_wait3A_292 = arith.constant 0 : i32
    %dma_wait3A_293 = tpu.memref_slice %arg7[%dma_wait3A_291, %dma_wait3A_292] : memref<400x64xf32, #tpu.memory_space<vmem>> -> memref<50x64xf32, #tpu.memory_space<vmem>>
    tpu.wait_dma2 semaphore(%arg11 : memref<!tpu.dma_semaphore, #tpu.memory_space<semaphore_mem>>) src(%dma_wait3A_293 : memref<50x64xf32, #tpu.memory_space<vmem>>) dst(%dma_wait3A_290 : memref<50x64xf32, #tpu.memory_space<hbm>>)
    %dma_wait3A_294 = arith.constant 350 : i32
    %dma_wait3A_295 = arith.constant 0 : i32
    %dma_wait3A_296 = tpu.memref_slice %arg7[%dma_wait3A_294, %dma_wait3A_295] : memref<400x64xf32, #tpu.memory_space<vmem>> -> memref<50x64xf32, #tpu.memory_space<vmem>>
    %dma_wait3A_297 = arith.constant 0 : i32
    %dma_wait3A_298 = arith.constant 0 : i32
    %dma_wait3A_299 = tpu.memref_slice %arg4[%add3A_195, %dma_wait3A_297, %dma_wait3A_298] : memref<16384x50x64xf32, #tpu.memory_space<hbm>> -> memref<1x50x64xf32, #tpu.memory_space<hbm>>
    %dma_wait3A_300 = tpu.memref_squeeze %dma_wait3A_299 : memref<1x50x64xf32, #tpu.memory_space<hbm>> -> memref<50x64xf32, #tpu.memory_space<hbm>>
    %dma_wait3A_301 = arith.constant 0 : i32
    %dma_wait3A_302 = arith.constant 0 : i32
    %dma_wait3A_303 = tpu.memref_slice %arg4[%add3A_195, %dma_wait3A_301, %dma_wait3A_302] : memref<16384x50x64xf32, #tpu.memory_space<hbm>> -> memref<1x50x64xf32, #tpu.memory_space<hbm>>
    %dma_wait3A_304 = tpu.memref_squeeze %dma_wait3A_303 : memref<1x50x64xf32, #tpu.memory_space<hbm>> -> memref<50x64xf32, #tpu.memory_space<hbm>>
    %dma_wait3A_305 = arith.constant 350 : i32
    %dma_wait3A_306 = arith.constant 0 : i32
    %dma_wait3A_307 = tpu.memref_slice %arg7[%dma_wait3A_305, %dma_wait3A_306] : memref<400x64xf32, #tpu.memory_space<vmem>> -> memref<50x64xf32, #tpu.memory_space<vmem>>
    tpu.wait_dma2 semaphore(%arg11 : memref<!tpu.dma_semaphore, #tpu.memory_space<semaphore_mem>>) src(%dma_wait3A_307 : memref<50x64xf32, #tpu.memory_space<vmem>>) dst(%dma_wait3A_304 : memref<50x64xf32, #tpu.memory_space<hbm>>)
    return
  }
}

module attributes {stable_mosaic.version = 14 : i64} {
  func.func @_relayout_body(%arg0: i32, %arg1: memref<64x8192xf32, #tpu.memory_space<vmem>>, %arg2: memref<4096x128xf32, #tpu.memory_space<vmem>>) attributes {dimension_semantics = [#tpu.dimension_semantics<arbitrary>], iteration_bounds = array<i64: 123>, scalar_prefetch = 0 : i64, scratch_operands = 0 : i64, tpu.core_type = #tpu.core_type<tc>, window_params = [{transform_indices = @transform_0, window_bounds = array<i64: 64, 8192>}, {transform_indices = @transform_1, window_bounds = array<i64: 4096, 128>}]} {
    %get3A = arith.constant 0 : index
    %get3A_0 = arith.constant 0 : index
    %get3A_1 = vector.load %arg1[%get3A, %get3A_0] : memref<64x8192xf32, #tpu.memory_space<vmem>>, vector<64x8192xf32>
    %transpose3A = tpu.transpose %get3A_1, [1, 0] : vector<64x8192xf32> -> vector<8192x64xf32>
    %slice3A = vector.extract_strided_slice %transpose3A {offsets = [0, 0], sizes = [4096, 64], strides = [1, 1]} : vector<8192x64xf32> to vector<4096x64xf32>
    %swap3A = arith.constant 0 : index
    %swap3A_2 = arith.constant 0 : index
    %swap3A_3 = vector.load %arg2[%swap3A, %swap3A_2] : memref<4096x128xf32, #tpu.memory_space<vmem>>, vector<4096x64xf32>
    tpu.vector_store %arg2[%swap3A, %swap3A_2], %slice3A {strides = array<i32>} : memref<4096x128xf32, #tpu.memory_space<vmem>>, vector<4096x64xf32>,
    %slice3A_4 = vector.extract_strided_slice %transpose3A {offsets = [4096, 0], sizes = [4096, 64], strides = [1, 1]} : vector<8192x64xf32> to vector<4096x64xf32>
    %swap3A_5 = arith.constant 0 : index
    %swap3A_6 = arith.constant 64 : index
    %swap3A_7 = vector.load %arg2[%swap3A_5, %swap3A_6] : memref<4096x128xf32, #tpu.memory_space<vmem>>, vector<4096x64xf32>
    tpu.vector_store %arg2[%swap3A_5, %swap3A_6], %slice3A_4 {strides = array<i32>} : memref<4096x128xf32, #tpu.memory_space<vmem>>, vector<4096x64xf32>,
    return
  }
  func.func @transform_0(%arg0: i32) -> (i32, i32) {
    %c0_i32 = arith.constant 0 : i32
    %c0_i32_0 = arith.constant 0 : i32
    return %c0_i32, %arg0 : i32, i32
  }
  func.func @transform_1(%arg0: i32) -> (i32, i32) {
    %c0_i32 = arith.constant 0 : i32
    %c0_i32_0 = arith.constant 0 : i32
    return %arg0, %c0_i32 : i32, i32
  }
}

</mosaic_0001>

<sc_bundles>
// kernel: kernel.4.cloned.1.call-start
scs
__scs_entry_jumppad:
0x0: {  	(pc) =	sbr.rel $0x88, $3  }
0x1: {  	(tag) =	ssettag $0x0;
	lr =	simm.s32 $0x1  }
0x2: {  	[smem:$0x3F9F] =	sst lr;
	_ =	strace $0xD0000000  }
0x3: {  	_ = 	snop  }
0x4: {  	_ = 	snop  }
0x5: {  	_ = 	snop  }
0x6: {  	_ = 	snop  }
0x7: {  	_ = 	snop  }
__scs_overlays_trampoline_lowered:
0x8: {  	[smem:$0x3FAE] =	sst s0  }
0x9: {  	[smem:$0x3FAF] =	sst s1  }
0xa: {  	[smem:$0x3FB0] =	sst s2  }
0xb: {  	[smem:$0x3FB1] =	sst s3  }
0xc: {  	[smem:$0x3FB2] =	sst s4  }
0xd: {  	[smem:$0x3FB3] =	sst s5  }
0xe: {  	[smem:$0x3FB4] =	sst s6  }
0xf: {  	[smem:$0x3FB5] =	sst s7  }
0x10: {  	[smem:$0x3FB6] =	sst s8  }
0x11: {  	[smem:$0x3FB7] =	sst s9;
	s0 =	simm.s32 @!p0 $0x0  }
0x12: {  	s1 =	sld [smem:$0x3F9D];
	s0 =	simm.s32 @p0 $0x1  }
0x13: {  	[smem:$0x3FB8] =	sst s0;
	s0 =	simm.s32 @!p1 $0x0  }
0x14: {  	s2 =	sld [smem:$0x3F9C];
	s0 =	simm.s32 @p1 $0x1  }
0x15: {  	[smem:$0x3FB9] =	sst s0;
	s0 =	simm.s32 @!p2 $0x0  }
0x16: {  	s3 =	sld [smem:$0x3FDB];
	s0 =	simm.s32 @p2 $0x1  }
0x17: {  	s4 =	simm.s32 $0x1BF5;
	[smem:$0x3FBB] =	sst s0  }
0x18: {  	s0 =	sld [smem:$0x3F9E];
	_ =	swait.ge [sflag:s4], $0x0  }
0x19: {  	s7 =	sld [smem:$0x3F9F]  }
0x1a: {  	s8 =	sadd.s32 $0xFFFFE003, lr  }
0x1b: {  	s9 =	sadd.s32 $0xFFFFFEF7, lr;
	s5 =	simm.s32 $0xFFFFFFFF;
	p2 =	slt.u32 s8, $0xFFFFF086  }
0x1c: {  	p1 =	slt.u32 s9, $0xF7A;
	s5 =	simm.s32 @!p2 $0x0  }
0x1d: {  	s5 =	simm.s32 @p1 $0x1;
	p0 =	seq.s32 s7, s2  }
0x1e: {  	s7 =	smul.u32 @!p0 $0xF7A, s2;
	p2 =	seq.s32 @!p0 s5, $0x0  }
0x1f: {  	s9 =	smul.u32 $0xF7A, s1;
	s8 =	simm.s32 @!p0 $0x1BF5;
	p2 =	por !p2, p0  }
0x20: {  	[sflag:s8] =	ssyncset.s32 @!p0 $0xFFFFF086;
	s6 =	sadd.s32 @!p0 s3, s7;
	s7 =	simm.s32 @!p0 $0x108  }
0x21: {  	s3 =	sadd.s32 s3, s9;
	s6 =	sadd.s32 @!p0 $0x88, s6;
	s7 =	simm.s32 @p2 $0x1082  }
0x22: {  	[simem:s7], [sflag:s8] =	dma.local @!p0 [hbm:s6], $0xF7A  }
0x23: {  	s9 =	sor.u32 $0xD0000000, s2;
	s6 =	simm.s32 $0x108;
	_ =	swait.ge @!p0 [sflag:s8], $0x0  }
0x24: {  	s3 =	sadd.s32 $0x88, s3;
	s6 =	simm.s32 @!p1 $0x1082;
	[sflag:s4] =	ssyncset.s32 $0xFFFFF086  }
0x25: {  	[simem:s6], [sflag:s4] =	dma.local [hbm:s3], $0xF7A  }
0x26: {  	[smem:$0x3F9F] =	sst s1;
	(tag) =	ssettag s2;
	_ =	strace s9  }
0x27: {  	s1 =	sld [smem:$0x3FAF]  }
0x28: {  	s2 =	sld [smem:$0x3FB0]  }
0x29: {  	s4 =	sld [smem:$0x3FB2]  }
0x2a: {  	p0 =	seq.s32 s5, $0x0;
	s5 =	sld [smem:$0x3FB3]  }
0x2b: {  	s6 =	sld [smem:$0x3FB4]  }
0x2c: {  	s7 =	sld [smem:$0x3FB5]  }
0x2d: {  	s3 =	simm.s32 $0x108;
	s8 =	sld [smem:$0x3FB6]  }
0x2e: {  	s3 =	simm.s32 @!p0 $0x1082;
	s9 =	sld [smem:$0x3FB7]  }
0x2f: {  	lr =	sadd.s32 s0, s3;
	s0 =	sld [smem:$0x3FAE]  }
0x30: {  	s3 =	sld [smem:$0x3FB1]  }
0x31: {  	[smem:$0x3FBA] =	sst s10  }
0x32: {  	s10 =	sld [smem:$0x3FB8];
	_ =	sdelay $0x3  }
0x33: {  	p0 =	seq.s32 s10, $0x1;
	s10 =	sld [smem:$0x3FBA];
	_ =	sdelay $0x3  }
0x34: {  	[smem:$0x3FBA] =	sst s10  }
0x35: {  	s10 =	sld [smem:$0x3FB9];
	_ =	sdelay $0x3  }
0x36: {  	p1 =	seq.s32 s10, $0x1;
	s10 =	sld [smem:$0x3FBA];
	_ =	sdelay $0x3  }
0x37: {  	[smem:$0x3FBA] =	sst s10  }
0x38: {  	s10 =	sld [smem:$0x3FBB]  }
0x39: {  	_ = 	snop;
	(pc) =	sbr.ind lr, $3  }
0x3a: {  	_ = 	snop  }
0x3b: {  	_ = 	snop  }
0x3c: {  	p2 =	seq.s32 s10, $0x1;
	s10 =	sld [smem:$0x3FBA]  }
0x3d: {  	_ =	shalt  }
0x3e: {  	_ =	shalt  }
0x3f: {  	_ =	shalt  }
0x40: {  	_ =	shalt  }
0x41: {  	_ =	shalt  }
0x42: {  	_ =	shalt  }
0x43: {  	_ =	shalt  }
0x44: {  	_ =	shalt  }
0x45: {  	_ =	shalt  }
0x46: {  	_ =	shalt  }
0x47: {  	_ =	shalt  }
0x48: {  	_ =	shalt  }
0x49: {  	_ =	shalt  }
0x4a: {  	_ =	shalt  }
0x4b: {  	_ =	shalt  }
0x4c: {  	_ =	shalt  }
0x4d: {  	_ =	shalt  }
0x4e: {  	_ =	shalt  }
0x4f: {  	_ =	shalt  }
0x50: {  	_ =	shalt  }
0x51: {  	_ =	shalt  }
0x52: {  	_ =	shalt  }
0x53: {  	_ =	shalt  }
0x54: {  	_ =	shalt  }
0x55: {  	_ =	shalt  }
0x56: {  	_ =	shalt  }
0x57: {  	_ =	shalt  }
0x58: {  	_ =	shalt  }
0x59: {  	_ =	shalt  }
0x5a: {  	_ =	shalt  }
0x5b: {  	_ =	shalt  }
0x5c: {  	_ =	shalt  }
0x5d: {  	_ =	shalt  }
0x5e: {  	_ =	shalt  }
0x5f: {  	_ =	shalt  }
0x60: {  	_ =	shalt  }
0x61: {  	_ =	shalt  }
0x62: {  	_ =	shalt  }
0x63: {  	_ =	shalt  }
0x64: {  	_ =	shalt  }
0x65: {  	_ =	shalt  }
0x66: {  	_ =	shalt  }
0x67: {  	_ =	shalt  }
0x68: {  	_ =	shalt  }
0x69: {  	_ =	shalt  }
0x6a: {  	_ =	shalt  }
0x6b: {  	_ =	shalt  }
0x6c: {  	_ =	shalt  }
0x6d: {  	_ =	shalt  }
0x6e: {  	_ =	shalt  }
0x6f: {  	_ =	shalt  }
0x70: {  	_ =	shalt  }
0x71: {  	_ =	shalt  }
0x72: {  	_ =	shalt  }
0x73: {  	_ =	shalt  }
0x74: {  	_ =	shalt  }
0x75: {  	_ =	shalt  }
0x76: {  	_ =	shalt  }
0x77: {  	_ =	shalt  }
0x78: {  	_ =	shalt  }
0x79: {  	_ =	shalt  }
0x7a: {  	_ =	shalt  }
0x7b: {  	_ =	shalt  }
0x7c: {  	_ =	shalt  }
0x7d: {  	_ =	shalt  }
0x7e: {  	_ =	shalt  }
0x7f: {  	_ =	shalt  }
0x80: {  	_ =	shalt  }
0x81: {  	_ =	shalt  }
0x82: {  	_ =	shalt  }
0x83: {  	_ =	shalt  }
0x84: {  	_ =	shalt  }
0x85: {  	_ =	shalt  }
0x86: {  	_ =	shalt  }
0x87: {  	_ =	shalt  }
.Lfunc_end0:
.L_simem_size_0:
called_computation.1_lowered:
.L_overlay_start_0:
0x88: {  	s2 =	sld [smem:$0x3FD9]  }
0x89: {  	s3 =	sld [smem:$0x3FFE];
	_ =	sdelay $0x1  }
0x8a: {  	s1 =	srdreg.scid  }
0x8b: {  	s0 =	sand.u32 $0x1, s1  }
0x8c: {  	s17 =	sshll.u32 s0, $0xA;
	s2 =	sadd.s32 s3, s2  }
0x8d: {  	s2 =	sadd.s32 s2, s17  }
0x8e: {  	[smem:$0x3FC6] =	sst s2  }
0x8f: {  	_ = 	snop  }
0x90: {  	s2 =	sld [smem:$0x3FD0];
	(tm) =	ssettm $0x1  }
0x91: {  	s18 =	sld [smem:$0x3FFB];
	_ =	sdelay $0x3  }
0x92: {  	_ =	strace s18  }
0x93: {  	s3 =	sld [smem:$0x3FFC];
	_ =	sdelay $0x3  }
0x94: {  	_ =	strace s3  }
0x95: {  	s3 =	sld [smem:$0x3FFD];
	_ =	sdelay $0x3  }
0x96: {  	_ =	strace s3  }
0x97: {  	_ =	strace $0x8FFFFFFF  }
0x98: {  	s19 =	sld [smem:$0x3FDB];
	_ =	sdelay $0x1  }
0x99: {  	s4 =	simm.s32 $_scs_section_size  }
0x9a: {  	s5 =	simm.s32 $_size__tile_overlayer_lowered;
	s6 =	simm.s32 $_tile_overlayer_lowered  }
0x9b: {  	s22 =	simm.s32 $0x1BFF;
	s21 =	sshll.u32 s6, $0x1;
	s3 =	sadd.s32 s4, s19  }
0x9c: {  	s7 =	simm.s32 $0x0;
	s20 =	sshll.u32 s5, $0x1;
	s5 =	sadd.s32 s21, s3  }
0x9d: {  	[timem:s7], [sflag:s22] =	dma.local [hbm:s5], s20  }
0x9e: {  	_ =	swait.ge [sflag:s22], s20  }
0x9f: {  	s4 =	ssub.s32 $0x0, s20;
	[sflag:s22] =	ssyncset.done $0x0  }
0xa0: {  	[sflag:s22] =	ssyncadd.s32 s4;
	_ =	sdelay $0x1  }
0xa1: {  	s23 =	simm.s32 $0x1B8B  }
0xa2: {  	_ =	swait.ge [sflag:s23], $0x1  }
0xa3: {  	[sflag:s23] =	ssyncset.done $0x0  }
0xa4: {  	s25 =	simm.s32 $0x1B8E;
	s24 =	sld [smem:$0x3FFE];
	[sflag:s23] =	ssyncadd.s32 $0xFFFFFFFF  }
0xa5: {  	s26 =	simm.s32 $execute0_lowered;
	[smem:$0x3FD2] =	sst s25  }
0xa6: {  	s5 =	sshll.u32 s26, $0x1;
	_ =	strace $0x80000046;
	[dreg:$0x1] =	wrdreg $0xFFFFFFFF  }
0xa7: {  	s28 =	simm.s32 $_size_execute0_lowered;
	s3 =	sadd.s32 s3, s5;
	[dreg:$0x0] =	wrdreg $0x0  }
0xa8: {  	s5 =	sshll.u32 s28, $0x1;
	[dreg:$0x2] =	wrdreg s3  }
0xa9: {  	[dreg:$0x3] =	wrdreg s5  }
0xaa: {  	[dreg:$0x4] =	wrdreg $0xC0  }
0xab: {  	_ =	task [dreg:s7], $0x5FFFF  }
0xac: {  	[dreg:$0x1] =	wrdreg $0xFFFFFFFF  }
0xad: {  	[dreg:$0x0] =	wrdreg $0x60  }
0xae: {  	[dreg:$0x2] =	wrdreg s24  }
0xaf: {  	[dreg:$0x3] =	wrdreg s2  }
0xb0: {  	[dreg:$0x4] =	wrdreg $0x9  }
0xb1: {  	_ =	task.clear_ibuf [dreg:s7], $0x5FFFF;
	_ =	strace $0x90000046  }
0xb2: {  	s29 =	simm.s32 $0x9;
	_ =	strace $0x80000048  }
0xb3: {  	_ =	swait.ge [sflag:s29], $0x1  }
0xb4: {  	[sflag:s29] =	ssyncadd.s32 $0xFFFFFFFF  }
0xb5: {  	_ =	strace $0x90000048  }
0xb6: {  	_ =	sfence  }
0xb7: {  	s30 =	sld [smem:$0x0];
	_ =	sdelay $0x2  }
0xb8: {  	s31 =	sshll.u32 s1, $0xD;
	s1 =	sshrl.u32 s1, $0x2  }
0xb9: {  	s3 =	sand.u32 $0x4000, s31;
	s1 =	sadd.s32 s1, s30  }
0xba: {  	s0 =	sor.u32 s3, s0;
	s1 =	sshll.u32 s1, $0x11  }
0xbb: {  	s0 =	sor.u32 s1, s0  }
0xbc: {  	s0 =	sadd.s32 $0x8F2B, s0  }
0xbd: {  	[sflag:s0] =	ssyncadd.remote.s32 $0x1  }
0xbe: {  	_ =	sfence.sel $0xFFFF  }
0xbf: {  	[dreg:$0x0] =	wrdreg $0xFFFFFFFF;
	(pc) =	sbr.abs _section_cstart, $3  }
0xc0: {  	[dreg:$0x1] =	wrdreg $0xFFFFFFFF  }
0xc1: {  	_ =	task.clear_ibuf [dreg:s7], $0x2FFFF;
	_ =	strace $0x9FFFFFFF  }
0xc2: {  	(tm) =	ssettm $0x7FFFFFFF  }
0xc3: {  	_ =	shalt  }
tec
execute0_lowered:
.L_overlay_start_1:
0x0: {  	(tag) =	ssettag $0x1  }
0x1: {  	s0 =	srdreg.scid;
	s3 =	rddreg [dreg:$0x0]  }
0x2: {  	s12 =	stileid.u32;
	s4 =	rddreg [dreg:$0x1]  }
0x3: {  	s2 =	simm.s32 $0x0;
	s29 =	simm.s32 $0x10680;
	s30 =	simm.s32 $0x11F80  }
0x4: {  	s28 =	simm.s32 $0x190;
	s0 =	sand.u32 $0x1, s0;
	s5 =	smul.u32 $0x320000, s12  }
0x5: {  	s1 =	sshll.u32 s12, $0x1;
	[smem:$0x7FF] =	sst s2;
	s12 =	smul.u32 $0x64000, s12  }
0x6: {  	s1 =	sor.u32 s0, s1;
	s6 =	smul.u32 $0x190000, s0;
	s7 =	ssub.s32 $0x2, s0  }
0x7: {  	_ =	strace $0x80000047;
	s1 =	smul.u32 $0xC80, s1;
	s8 =	sshrl.u32 s7, $0x1  }
0x8: {  	s0 =	smul.u32 $0x32000, s0;
	s5 =	sadd.s32 s6, s5;
	s10 =	ssub.s32 s7, s8  }
0x9: {  	s1 =	sadd.s32 s1, s3;
	s3 =	sadd.s32 $0x19800, s3;
	s11 =	sor.u32 $0xBB80, s5  }
0xa: {  	s6 =	smax.u32 s10, $0x1;
	s13 =	sor.u32 $0xAF00, s5;
	s15 =	sor.u32 $0xA280, s5  }
0xb: {  	s9 =	sor.u32 $0x9600, s5;
	s10 =	sor.u32 $0x8980, s5;
	s20 =	sor.u32 $0x7080, s5  }
0xc: {  	s22 =	sor.u32 $0x4B00, s5;
	s23 =	sor.u32 $0x3E80, s5;
	s25 =	sor.u32 $0x2580, s5  }
0xd: {  	s26 =	sor.u32 $0x1900, s5;
	s1 =	sadd.s32 $0x800, s1;
	[dreg:$0x4] =	wrdreg s6  }
0xe: {  	s14 =	sshrl.u32 s13, $0x3;
	s16 =	sshrl.u32 s15, $0x3;
	s17 =	sshrl.u32 s9, $0x3  }
0xf: {  	s18 =	sshrl.u32 s10, $0x3;
	s13 =	sadd.s32 s12, s4;
	[dreg:$0x3] =	wrdreg s1  }
0x10: {  	s1 =	sshrl.u32 s11, $0x3;
	s7 =	sadd.s32 s14, s4;
	s8 =	sadd.s32 s16, s4  }
0x11: {  	s9 =	sadd.s32 s17, s4;
	s11 =	sor.u32 $0x7D00, s5;
	s10 =	sadd.s32 s18, s4  }
0x12: {  	s14 =	sor.u32 $0x5780, s5;
	s13 =	sadd.s32 s0, s13;
	s0 =	sshrl.u32 s22, $0x3  }
0x13: {  	s17 =	sor.u32 $0x3200, s5;
	s5 =	sor.u32 $0xC80, s5;
	s22 =	simm.s32 $0x11300  }
0x14: {  	s6 =	sadd.s32 s1, s4;
	s19 =	sshrl.u32 s11, $0x3;
	s1 =	sshrl.u32 s20, $0x3  }
0x15: {  	s21 =	sshrl.u32 s14, $0x3;
	s15 =	sadd.s32 s0, s4;
	s24 =	sshrl.u32 s17, $0x3  }
0x16: {  	s0 =	sshrl.u32 s25, $0x3;
	s31 =	sshrl.u32 s5, $0x3;
	s25 =	simm.s32 $0x1  }
.Ltmp0:
0x17: {  	s11 =	sadd.s32 s19, s4;
	s12 =	sadd.s32 s1, s4;
	(pc) =	sbr.rel .LBB2_1-.Ltmp0, $4  }
0x18: {  	s14 =	sadd.s32 s21, s4;
	s1 =	sshrl.u32 s23, $0x3;
	s17 =	sadd.s32 s24, s4  }
0x19: {  	s18 =	sadd.s32 s0, s4;
	s20 =	sadd.s32 s31, s4;
	s24 =	simm.s32 $0xC800  }
0x1a: {  	s23 =	simm.s32 $0x4;
	s16 =	sadd.s32 s1, s4;
	s1 =	sshrl.u32 s26, $0x3  }
0x1b: {  	s19 =	sadd.s32 s1, s4;
	s4 =	simm.s32 $0x2;
	s1 =	simm.s32 $0x0  }
.LBB2_4:
0x1c: {  	s0 =	simm.s32 $0x3  }
0x1d: {  	_ =	swait.ge [sflag:s0], $0xC80  }
0x1e: {  	[sflag:s0] =	ssyncset.done $0x0  }
0x1f: {  	[sflag:s0] =	ssyncadd.s32 $0xFFFFF380  }
0x20: {  	_ =	swait.ge [sflag:s0], $0xC80  }
0x21: {  	[sflag:s0] =	ssyncset.done $0x0  }
0x22: {  	[sflag:s0] =	ssyncadd.s32 $0xFFFFF380  }
0x23: {  	_ =	swait.ge [sflag:s0], $0xC80  }
0x24: {  	[sflag:s0] =	ssyncset.done $0x0  }
0x25: {  	[sflag:s0] =	ssyncadd.s32 $0xFFFFF380  }
0x26: {  	_ =	swait.ge [sflag:s0], $0xC80  }
0x27: {  	[sflag:s0] =	ssyncset.done $0x0  }
0x28: {  	[sflag:s0] =	ssyncadd.s32 $0xFFFFF380  }
0x29: {  	_ =	swait.ge [sflag:s0], $0xC80  }
0x2a: {  	[sflag:s0] =	ssyncset.done $0x0  }
0x2b: {  	[sflag:s0] =	ssyncadd.s32 $0xFFFFF380  }
0x2c: {  	_ =	swait.ge [sflag:s0], $0xC80  }
0x2d: {  	[sflag:s0] =	ssyncset.done $0x0  }
0x2e: {  	[sflag:s0] =	ssyncadd.s32 $0xFFFFF380  }
0x2f: {  	_ =	swait.ge [sflag:s0], $0xC80  }
0x30: {  	[sflag:s0] =	ssyncset.done $0x0  }
0x31: {  	[sflag:s0] =	ssyncadd.s32 $0xFFFFF380  }
0x32: {  	_ =	swait.ge [sflag:s0], $0xC80  }
0x33: {  	[sflag:s0] =	ssyncset.done $0x0  }
0x34: {  	[sflag:s0] =	ssyncadd.s32 $0xFFFFF380  }
0x35: {  	_ =	swait.ge [sflag:s23], $0xC80  }
0x36: {  	[sflag:s23] =	ssyncset.done $0x0  }
0x37: {  	[sflag:s23] =	ssyncadd.s32 $0xFFFFF380  }
0x38: {  	_ =	swait.ge [sflag:s23], $0xC80  }
0x39: {  	[sflag:s23] =	ssyncset.done $0x0  }
0x3a: {  	[sflag:s23] =	ssyncadd.s32 $0xFFFFF380  }
0x3b: {  	_ =	swait.ge [sflag:s23], $0xC80  }
0x3c: {  	[sflag:s23] =	ssyncset.done $0x0  }
0x3d: {  	[sflag:s23] =	ssyncadd.s32 $0xFFFFF380  }
0x3e: {  	_ =	swait.ge [sflag:s23], $0xC80  }
0x3f: {  	[sflag:s23] =	ssyncset.done $0x0  }
0x40: {  	[sflag:s23] =	ssyncadd.s32 $0xFFFFF380  }
0x41: {  	_ =	swait.ge [sflag:s23], $0xC80  }
0x42: {  	[sflag:s23] =	ssyncset.done $0x0  }
0x43: {  	[sflag:s23] =	ssyncadd.s32 $0xFFFFF380  }
0x44: {  	_ =	swait.ge [sflag:s23], $0xC80  }
0x45: {  	[sflag:s23] =	ssyncset.done $0x0  }
0x46: {  	[sflag:s23] =	ssyncadd.s32 $0xFFFFF380  }
0x47: {  	_ =	swait.ge [sflag:s23], $0xC80  }
0x48: {  	[sflag:s23] =	ssyncset.done $0x0  }
0x49: {  	[sflag:s23] =	ssyncadd.s32 $0xFFFFF380  }
0x4a: {  	_ =	swait.ge [sflag:s23], $0xC80  }
0x4b: {  	s1 =	rddreg [dreg:$0x5]  }
0x4c: {  	s31 =	rddreg [dreg:$0x4];
	s1 =	sadd.s32 $0x1, s1  }
0x4d: {  	p0 =	sne.s32 s1, s31  }
.Ltmp1:
0x4e: {  	_ = 	snop;
	(pc) =	sbr.rel @!p0 .LBB2_5-.Ltmp1, $3  }
0x4f: {  	_ =	sdelay $0x1  }
0x50: {  	[sflag:s23] =	ssyncset.done $0x0  }
0x51: {  	[sflag:s23] =	ssyncadd.s32 $0xFFFFF380  }
.LBB2_1:
0x52: {  	[dreg:$0x5] =	wrdreg s1  }
0x53: {  	s0 =	rddreg [dreg:$0x3];
	s5 =	simm.s32 $0x5  }
0x54: {  	[tilespmem:s2], [sflag:$0x5] =	stream.linear.gather [hbm4b:s0+s2], $0x6400, $0x38;
	[tilespmem:$0x12C00] =	vst v63  }
0x55: {  	_ =	swait.ge [sflag:s5], $0x6400  }
0x56: {  	[sflag:s5] =	ssyncset.done $0x0  }
0x57: {  	s21 =	simm.s32 $0x190;
	s26 =	simm.s32 $0x6400;
	[sflag:s5] =	ssyncadd.s32 $0xFFFF9C00  }
0x58: {  	[tilespmem:s26], [sflag:$0x1] =	stream.indirect.gather [hbm4b:s3+s21], $0x40, s2, s21, $0xb8;
	[tilespmem:$0x12C00] =	vst v63  }
0x59: {  	s31 =	simm.s32 $0x4B0;
	s1 =	simm.s32 $0x0  }
0x5a: {  	[tilespmem:s24], [sflag:$0x2] =	stream.indirect.gather [hbm4b:s3+s21], $0x40, s21, s21, $0xb8;
	[tilespmem:$0x12C00] =	vst v63  }
.LBB2_2:
0x5b: {  	_ =	swait.ge [sflag:s25], $0x6400  }
0x5c: {  	[sflag:s25] =	ssyncset.done $0x0  }
0x5d: {  	s0 =	sadd.s32 s1, s13;
	s5 =	simm.s32 $0x6400;
	[sflag:s25] =	ssyncadd.s32 $0xFFFF9C00  }
0x5e: {  	[hbm4b:s0+s2] =	stream.linear.scatter [tilespmem:s5], [sflag:$0x3], $0xC80, $0x38;
	[tilespmem:$0x12C00] =	vst v63  }
0x5f: {  	s26 =	sadd.s32 s1, s20;
	s21 =	simm.s32 $0x7080  }
0x60: {  	[hbm4b:s26+s2] =	stream.linear.scatter [tilespmem:s21], [sflag:$0x3], $0xC80, $0x38;
	[tilespmem:$0x12C00] =	vst v63  }
0x61: {  	s21 =	sadd.s32 s1, s19;
	s26 =	simm.s32 $0x7D00  }
0x62: {  	[hbm4b:s21+s2] =	stream.linear.scatter [tilespmem:s26], [sflag:$0x3], $0xC80, $0x38;
	[tilespmem:$0x12C00] =	vst v63  }
0x63: {  	s21 =	sadd.s32 s1, s18;
	s26 =	simm.s32 $0x8980  }
0x64: {  	[hbm4b:s21+s2] =	stream.linear.scatter [tilespmem:s26], [sflag:$0x3], $0xC80, $0x38;
	[tilespmem:$0x12C00] =	vst v63  }
0x65: {  	s21 =	sadd.s32 s1, s17;
	s26 =	simm.s32 $0x9600  }
0x66: {  	[hbm4b:s21+s2] =	stream.linear.scatter [tilespmem:s26], [sflag:$0x3], $0xC80, $0x38;
	[tilespmem:$0x12C00] =	vst v63  }
0x67: {  	s21 =	sadd.s32 s1, s16;
	s26 =	simm.s32 $0xA280  }
0x68: {  	[hbm4b:s21+s2] =	stream.linear.scatter [tilespmem:s26], [sflag:$0x3], $0xC80, $0x38;
	[tilespmem:$0x12C00] =	vst v63  }
0x69: {  	p0 =	seq.s32 s1, $0x30700;
	s21 =	sadd.s32 s1, s15;
	s26 =	simm.s32 $0xAF00  }
0x6a: {  	[hbm4b:s21+s2] =	stream.linear.scatter [tilespmem:s26], [sflag:$0x3], $0xC80, $0x38;
	[tilespmem:$0x12C00] =	vst v63  }
0x6b: {  	s5 =	simm.s32 @!p0 $0x3;
	s21 =	sadd.s32 s1, s14;
	s26 =	simm.s32 $0xBB80  }
0x6c: {  	[hbm4b:s21+s2] =	stream.linear.scatter [tilespmem:s26], [sflag:$0x3], $0xC80, $0x38;
	[tilespmem:$0x12C00] =	vst v63  }
0x6d: {  	_ =	swait.ge @!p0 [sflag:s5], $0xC80  }
0x6e: {  	[sflag:s5] =	ssyncset.done @!p0 $0x0  }
0x6f: {  	[sflag:s5] =	ssyncadd.s32 @!p0 $0xFFFFF380  }
0x70: {  	_ =	swait.ge @!p0 [sflag:s5], $0xC80  }
0x71: {  	[sflag:s5] =	ssyncset.done @!p0 $0x0  }
0x72: {  	[sflag:s5] =	ssyncadd.s32 @!p0 $0xFFFFF380  }
0x73: {  	_ =	swait.ge @!p0 [sflag:s5], $0xC80  }
0x74: {  	[sflag:s5] =	ssyncset.done @!p0 $0x0  }
0x75: {  	[sflag:s5] =	ssyncadd.s32 @!p0 $0xFFFFF380  }
0x76: {  	_ =	swait.ge @!p0 [sflag:s5], $0xC80  }
0x77: {  	[sflag:s5] =	ssyncset.done @!p0 $0x0  }
0x78: {  	[sflag:s5] =	ssyncadd.s32 @!p0 $0xFFFFF380  }
0x79: {  	_ =	swait.ge @!p0 [sflag:s5], $0xC80  }
0x7a: {  	[sflag:s5] =	ssyncset.done @!p0 $0x0  }
0x7b: {  	[sflag:s5] =	ssyncadd.s32 @!p0 $0xFFFFF380  }
0x7c: {  	_ =	swait.ge @!p0 [sflag:s5], $0xC80  }
0x7d: {  	[sflag:s5] =	ssyncset.done @!p0 $0x0  }
0x7e: {  	[sflag:s5] =	ssyncadd.s32 @!p0 $0xFFFFF380  }
0x7f: {  	_ =	swait.ge @!p0 [sflag:s5], $0xC80  }
0x80: {  	[sflag:s5] =	ssyncset.done @!p0 $0x0  }
0x81: {  	[sflag:s5] =	ssyncadd.s32 @!p0 $0xFFFFF380  }
0x82: {  	_ =	swait.ge @!p0 [sflag:s5], $0xC80  }
0x83: {  	s21 =	simm.s32 @!p0 $0x190;
	[sflag:s5] =	ssyncset.done @!p0 $0x0  }
0x84: {  	s26 =	simm.s32 @!p0 $0x6400;
	[sflag:s5] =	ssyncadd.s32 @!p0 $0xFFFFF380;
	s5 =	sadd.s32 @!p0 $0xFFFFFE70, s31  }
0x85: {  	[tilespmem:s26], [sflag:$0x1] =	stream.indirect.gather @!p0 [hbm4b:s3+s21], $0x40, s5, s21, $0xb8;
	[tilespmem:$0x12C00] =	vst v63  }
0x86: {  	_ =	swait.ge [sflag:s4], $0x6400  }
0x87: {  	[sflag:s4] =	ssyncset.done $0x0  }
0x88: {  	s0 =	sadd.s32 $0xC80, s0;
	[sflag:s4] =	ssyncadd.s32 $0xFFFF9C00  }
0x89: {  	[hbm4b:s0+s2] =	stream.linear.scatter [tilespmem:s24], [sflag:$0x4], $0xC80, $0x38;
	[tilespmem:$0x12C00] =	vst v63  }
0x8a: {  	s21 =	sadd.s32 s1, s12;
	s26 =	simm.s32 $0xD480  }
0x8b: {  	[hbm4b:s21+s2] =	stream.linear.scatter [tilespmem:s26], [sflag:$0x4], $0xC80, $0x38;
	[tilespmem:$0x12C00] =	vst v63  }
0x8c: {  	s21 =	sadd.s32 s1, s11;
	s26 =	simm.s32 $0xE100  }
0x8d: {  	[hbm4b:s21+s2] =	stream.linear.scatter [tilespmem:s26], [sflag:$0x4], $0xC80, $0x38;
	[tilespmem:$0x12C00] =	vst v63  }
0x8e: {  	s21 =	sadd.s32 s1, s10;
	s26 =	simm.s32 $0xED80  }
0x8f: {  	[hbm4b:s21+s2] =	stream.linear.scatter [tilespmem:s26], [sflag:$0x4], $0xC80, $0x38;
	[tilespmem:$0x12C00] =	vst v63  }
0x90: {  	s21 =	sadd.s32 s1, s9;
	s26 =	simm.s32 $0xFA00  }
0x91: {  	[hbm4b:s21+s2] =	stream.linear.scatter [tilespmem:s26], [sflag:$0x4], $0xC80, $0x38;
	[tilespmem:$0x12C00] =	vst v63  }
0x92: {  	s5 =	sadd.s32 s1, s8  }
0x93: {  	[hbm4b:s5+s2] =	stream.linear.scatter [tilespmem:s29], [sflag:$0x4], $0xC80, $0x38;
	[tilespmem:$0x12C00] =	vst v63  }
.Ltmp2:
0x94: {  	_ = 	snop;
	(pc) =	sbr.rel @p0 .LBB2_4-.Ltmp2, $4  }
0x95: {  	s21 =	sadd.s32 s1, s7  }
0x96: {  	[hbm4b:s21+s2] =	stream.linear.scatter [tilespmem:s22], [sflag:$0x4], $0xC80, $0x38;
	[tilespmem:$0x12C00] =	vst v63  }
0x97: {  	s26 =	sadd.s32 s1, s6  }
0x98: {  	[hbm4b:s26+s2] =	stream.linear.scatter [tilespmem:s30], [sflag:$0x4], $0xC80, $0x38;
	[tilespmem:$0x12C00] =	vst v63  }
0x99: {  	_ =	swait.ge [sflag:s23], $0xC80  }
0x9a: {  	[sflag:s23] =	ssyncset.done $0x0  }
0x9b: {  	[sflag:s23] =	ssyncadd.s32 $0xFFFFF380  }
0x9c: {  	_ =	swait.ge [sflag:s23], $0xC80  }
0x9d: {  	[sflag:s23] =	ssyncset.done $0x0  }
0x9e: {  	[sflag:s23] =	ssyncadd.s32 $0xFFFFF380  }
0x9f: {  	_ =	swait.ge [sflag:s23], $0xC80  }
0xa0: {  	[sflag:s23] =	ssyncset.done $0x0  }
0xa1: {  	[sflag:s23] =	ssyncadd.s32 $0xFFFFF380  }
0xa2: {  	_ =	swait.ge [sflag:s23], $0xC80  }
0xa3: {  	[sflag:s23] =	ssyncset.done $0x0  }
0xa4: {  	[sflag:s23] =	ssyncadd.s32 $0xFFFFF380  }
0xa5: {  	_ =	swait.ge [sflag:s23], $0xC80  }
0xa6: {  	[sflag:s23] =	ssyncset.done $0x0  }
0xa7: {  	[sflag:s23] =	ssyncadd.s32 $0xFFFFF380  }
0xa8: {  	_ =	swait.ge [sflag:s23], $0xC80  }
0xa9: {  	[sflag:s23] =	ssyncset.done $0x0  }
0xaa: {  	[sflag:s23] =	ssyncadd.s32 $0xFFFFF380  }
0xab: {  	_ =	swait.ge [sflag:s23], $0xC80  }
0xac: {  	[sflag:s23] =	ssyncset.done $0x0  }
0xad: {  	[sflag:s23] =	ssyncadd.s32 $0xFFFFF380  }
.Ltmp3:
0xae: {  	_ =	swait.ge [sflag:s23], $0xC80;
	(pc) =	sbr.rel .LBB2_2-.Ltmp3, $4  }
0xaf: {  	[sflag:s23] =	ssyncset.done $0x0  }
0xb0: {  	[sflag:s23] =	ssyncadd.s32 $0xFFFFF380  }
0xb1: {  	[tilespmem:s24], [sflag:$0x2] =	stream.indirect.gather [hbm4b:s3+s28], $0x40, s31, s28, $0xb8;
	[tilespmem:$0x12C00] =	vst v63  }
0xb2: {  	s1 =	sadd.s32 $0x1900, s1;
	s31 =	sadd.s32 $0x320, s31  }
.LBB2_5:
0xb3: {  	_ =	sfence.sel $0x180000  }
0xb4: {  	[bflag:$0x0] =	sbarrier.arrive $0xFFFF  }
0xb5: {  	_ =	strace $0x90000047  }
0xb6: {  	s0 =	stileid.u32;
	[bflag:$0x2] =	sbarrier.arrive $0xFFFF  }
0xb7: {  	p0 =	sne.s32 s0, $0x0;
	s0 =	rddreg [dreg:$0x2]  }
0xb8: {  	s0 =	sadd.s32 @!p0 $0x100000, s0  }
0xb9: {  	[sflag:s0] =	ssyncadd.tile.s32 @!p0 $0x1;
	_ =	shalt  }
.Lfunc_end2:
_tile_overlayer_lowered:
.L_overlay_start_2:
0xba: {  	(tag) =	ssettag $0x2  }
0xbb: {  	s0 =	rddreg [dreg:$0x0];
	s2 =	stileid.u32  }
0xbc: {  	s1 =	rddreg [dreg:$0x1];
	p0 =	sne.s32 s2, $0x0  }
0xbd: {  	s3 =	rddreg [dreg:$0x2];
	[bflag:$0x3] =	sbarrier.arrive $0xFFFF;
	s2 =	simm.s32 @!p0 $0x1C05  }
0xbe: {  	[timem:s3], [sflag:s2] =	dma.local @!p0 [hbm:s0], s1  }
0xbf: {  	s0 =	simm.s32 @!p0 $0x5  }
0xc0: {  	_ =	swait.ge @!p0 [sflag:s0], s1  }
0xc1: {  	s1 =	ssub.s32 @!p0 $0x0, s1;
	[sflag:s0] =	ssyncset.done @!p0 $0x0  }
0xc2: {  	[sflag:s0] =	ssyncadd.s32 @!p0 s1  }
0xc3: {  	[bflag:$0x3] =	sbarrier.arrive $0xFFFF  }
0xc4: {  	_ =	shalt  }

// kernel: sparse-core-data-format-call.cloned.1.call-start
scs
called_computation_lowered:
.L_overlay_start_0:
0x0: {  	s2 =	sld [smem:$0x3FD9]  }
0x1: {  	s3 =	sld [smem:$0x3FFE];
	_ =	sdelay $0x1  }
0x2: {  	s1 =	srdreg.scid  }
0x3: {  	s0 =	sand.u32 $0x1, s1  }
0x4: {  	s18 =	sshll.u32 s0, $0xA;
	s2 =	sadd.s32 s3, s2  }
0x5: {  	s2 =	sadd.s32 s2, s18  }
0x6: {  	[smem:$0x3FC6] =	sst s2  }
0x7: {  	_ = 	snop  }
0x8: {  	s2 =	sld [smem:$0x3FD0];
	(tm) =	ssettm $0x1  }
0x9: {  	s19 =	sld [smem:$0x3FFB];
	_ =	sdelay $0x3  }
0xa: {  	_ =	strace s19  }
0xb: {  	s3 =	sld [smem:$0x3FFC];
	_ =	sdelay $0x3  }
0xc: {  	_ =	strace s3  }
0xd: {  	s3 =	sld [smem:$0x3FFD];
	_ =	sdelay $0x3  }
0xe: {  	_ =	strace s3  }
0xf: {  	_ =	strace $0x8FFFFFFF  }
0x10: {  	s20 =	sld [smem:$0x3FDB];
	_ =	sdelay $0x1  }
0x11: {  	s4 =	simm.s32 $_scs_section_size  }
0x12: {  	s5 =	simm.s32 $_size__tile_overlayer_lowered;
	s6 =	simm.s32 $_tile_overlayer_lowered  }
0x13: {  	s23 =	simm.s32 $0x1BFF;
	s22 =	sshll.u32 s6, $0x1;
	s3 =	sadd.s32 s4, s20  }
0x14: {  	s7 =	simm.s32 $0x0;
	s21 =	sshll.u32 s5, $0x1;
	s5 =	sadd.s32 s22, s3  }
0x15: {  	[timem:s7], [sflag:s23] =	dma.local [hbm:s5], s21  }
0x16: {  	_ =	swait.ge [sflag:s23], s21  }
0x17: {  	s4 =	ssub.s32 $0x0, s21;
	[sflag:s23] =	ssyncset.done $0x0  }
0x18: {  	[sflag:s23] =	ssyncadd.s32 s4;
	_ =	sdelay $0x1  }
0x19: {  	s24 =	simm.s32 $0x1B8B  }
0x1a: {  	_ =	swait.ge [sflag:s24], $0x1  }
0x1b: {  	[sflag:s24] =	ssyncset.done $0x0  }
0x1c: {  	s26 =	simm.s32 $0x1B8E;
	s25 =	sld [smem:$0x3FFE];
	[sflag:s24] =	ssyncadd.s32 $0xFFFFFFFF  }
0x1d: {  	s27 =	simm.s32 $execute0_lowered;
	[smem:$0x3FD2] =	sst s26  }
0x1e: {  	s5 =	sshll.u32 s27, $0x1;
	_ =	strace $0x80000049;
	[dreg:$0x1] =	wrdreg $0xFFFFFFFF  }
0x1f: {  	s28 =	simm.s32 $_size_execute0_lowered;
	s3 =	sadd.s32 s3, s5;
	[dreg:$0x0] =	wrdreg $0x0  }
0x20: {  	s5 =	sshll.u32 s28, $0x1;
	[dreg:$0x2] =	wrdreg s3  }
0x21: {  	[dreg:$0x3] =	wrdreg s5  }
0x22: {  	[dreg:$0x4] =	wrdreg $0xC0  }
0x23: {  	_ =	task [dreg:s7], $0x5FFFF  }
0x24: {  	[dreg:$0x1] =	wrdreg $0xFFFFFFFF  }
0x25: {  	[dreg:$0x0] =	wrdreg $0x60  }
0x26: {  	[dreg:$0x2] =	wrdreg s25  }
0x27: {  	[dreg:$0x3] =	wrdreg s2  }
0x28: {  	[dreg:$0x4] =	wrdreg $0x9  }
0x29: {  	_ =	task.clear_ibuf [dreg:s7], $0x5FFFF;
	_ =	strace $0x90000049  }
0x2a: {  	s29 =	simm.s32 $0x9;
	_ =	strace $0x8000004B  }
0x2b: {  	_ =	swait.ge [sflag:s29], $0x1  }
0x2c: {  	[sflag:s29] =	ssyncadd.s32 $0xFFFFFFFF  }
0x2d: {  	_ =	strace $0x9000004B  }
0x2e: {  	_ =	sfence  }
0x2f: {  	s30 =	sld [smem:$0x0];
	_ =	sdelay $0x2  }
0x30: {  	s31 =	sshll.u32 s1, $0xD;
	s1 =	sshrl.u32 s1, $0x2  }
0x31: {  	s3 =	sand.u32 $0x4000, s31;
	s1 =	sadd.s32 s1, s30  }
0x32: {  	s0 =	sor.u32 s3, s0;
	s1 =	sshll.u32 s1, $0x11  }
0x33: {  	s0 =	sor.u32 s1, s0  }
0x34: {  	s0 =	sadd.s32 $0x8F2B, s0  }
0x35: {  	[sflag:s0] =	ssyncadd.remote.s32 $0x1  }
0x36: {  	_ =	sfence.sel $0xFFFF  }
0x37: {  	[dreg:$0x0] =	wrdreg $0xFFFFFFFF;
	(pc) =	sbr.abs _section_cstart, $3  }
0x38: {  	[dreg:$0x1] =	wrdreg $0xFFFFFFFF  }
0x39: {  	_ =	task.clear_ibuf [dreg:s7], $0x2FFFF;
	_ =	strace $0x9FFFFFFF  }
0x3a: {  	(tm) =	ssettm $0x7FFFFFFF  }
0x3b: {  	_ =	shalt  }
tec
execute0_lowered:
.L_overlay_start_1:
0x0: {  	(tag) =	ssettag $0x1  }
0x1: {  	s0 =	srdreg.scid  }
0x2: {  	s1 =	sshll.u32 s0, $0x4  }
0x3: {  	s0 =	stileid.u32;
	s1 =	sand.u32 $0x10, s1  }
0x4: {  	s1 =	sor.u32 s0, s1  }
0x5: {  	s6 =	rddreg [dreg:$0x0];
	s4 =	simm.s32 $0x1;
	s2 =	sshll.u32 s1, $0x7  }
0x6: {  	s7 =	simm.s32 $0x2;
	s12 =	simm.s32 $0x0;
	s1 =	ssub.s32 $0x4000, s2  }
0x7: {  	s8 =	simm.s32 $0x20000;
	s13 =	simm.s32 $0x0;
	s3 =	sand.u32 $0xF80, s1  }
0x8: {  	s9 =	simm.s32 $0x0;
	s5 =	sshrl.u32 s1, $0xC;
	p0 =	sne.s32 s3, $0x0  }
.Ltmp0:
0x9: {  	s1 =	rddreg [dreg:$0x2];
	s4 =	simm.s32 @!p0 $0x0;
	(pc) =	sbr.rel .LBB1_1-.Ltmp0, $4  }
0xa: {  	s11 =	simm.s32 $0x0;
	s3 =	rddreg [dreg:$0x1];
	s5 =	sadd.s32 s4, s5  }
0xb: {  	_ =	strace $0x8000004A;
	s4 =	simm.s32 $0x1;
	s5 =	smul.u32 $0x32, s5  }
0xc: {  	s6 =	sadd.s32 $0x800, s6;
	s10 =	smov.u32 s2;
	[sflag:s4] =	ssyncpa.u1 $0x0  }
0xd: {  	p0 =	por $0x0, $0x0;
	[sflag:s7] =	ssyncpa.u1 $0x0;
	s7 =	sor.u32 $0x1, s5  }
.LBB1_4:
0xe: {  	s16 =	sshll.u32 s13, $0x3;
	s17 =	sand.u32 $0x78, s13  }
0xf: {  	s30 =	sand.u32 $0x1F800, s13;
	s12 =	sshll.u32 s12, $0x11;
	s16 =	sand.u32 $0x3C00, s16  }
0x10: {  	[tilespmem:s15+$0x810 ss:$0x81] =	vst.msk $0xffff, v2;
	s31 =	sand.u32 $0x7, s13;
	s16 =	sor.u32 s17, s16;
	s17 =	sadd.s32 s3, s30  }
0x11: {  	[tilespmem:s15+$0x1020 ss:$0x81] =	vst.msk $0xffff, v0;
	s13 =	sshll.u32 s31, $0x12;
	s12 =	sadd.s32 s12, s17;
	s16 =	sshrl.u32 s16, $0x3  }
0x12: {  	[tilespmem:s15+$0x0 ss:$0x81] =	vst.msk $0xffff, v1;
	s13 =	sor.u32 $0x400, s13;
	s12 =	sadd.s32 s16, s12  }
0x13: {  	[hbm4b:s12+s13] =	stream.strided.scatter [tilespmem:s14], [sflag:$0x2], $0x2000, s8, s13, $0x20;
	[tilespmem:$0x8080] =	vst v63  }
.LBB1_5:
0x14: {  	s14 =	sadd.s32 $0x1, s9  }
0x15: {  	s12 =	sadd.s32 $0x1000, s10;
	s16 =	smov.u32 s10;
	p2 =	sgt.s32 s14, $0x31  }
0x16: {  	s16 =	smov.u32 @p2 s12  }
0x17: {  	s14 =	simm.s32 @p2 $0x0;
	p2 =	sgt.s32 s16, $0x3FFF  }
0x18: {  	s16 =	smov.u32 @p2 s2;
	p2 =	sne.s32 s11, s7  }
.Ltmp1:
0x19: {  	p1 =	slt.u32 s11, $0x2;
	(pc) =	sbr.rel @!p2 .LBB1_6-.Ltmp1, $4  }
0x1a: {  	s15 =	simm.s32 @!p1 $0x2  }
0x1b: {  	s13 =	smov.u32 s10;
	p0 =	por !p0, !p0;
	_ =	swait.ge @!p1 [sflag:s15], $0x2000  }
0x1c: {  	s12 =	smov.u32 s9;
	[sflag:s15] =	ssyncset.done @!p1 $0x0;
	s9 =	smov.u32 s14  }
0x1d: {  	s11 =	sadd.s32 $0x1, s11;
	[sflag:s15] =	ssyncadd.s32 @!p1 $0xFFFFE000;
	s10 =	smov.u32 s16  }
.LBB1_1:
0x1e: {  	p1 =	sge.u32 s11, s5  }
0x1f: {  	s14 =	sand.u32 @!p1 $0x1FFFFFF, s9  }
0x20: {  	s15 =	smulhi.u32 @!p1 $0x4924925, s14;
	_ =	sdelay $0x1  }
0x21: {  	s15 =	smul.u32 @!p1 $0x38, s15  }
0x22: {  	s16 =	sxor.u32 @!p1 $0xFFFFFFFF, s11;
	s17 =	smul.u32 @!p1 $0x380, s10  }
0x23: {  	s31 =	sadd.s32 $0xFFFFFFFF, s11;
	s16 =	sshll.u32 @!p1 s16, $0xD;
	s14 =	ssub.s32 @!p1 s14, s15  }
0x24: {  	s15 =	sand.u32 @!p1 $0x2000, s16;
	s16 =	sadd.s32 @!p1 s6, s17;
	s14 =	sshll.u32 @!p1 s14, $0x4  }
0x25: {  	s17 =	simm.s32 @!p1 $0x1C00;
	s14 =	sadd.s32 @!p1 s14, s16;
	s16 =	simm.s32 @!p1 $0x40  }
0x26: {  	[tilespmem:s15], [sflag:$0x1] =	stream.strided.gather @!p1 [hbm4b:s14+s16], $0x2000, s17, s16, $0x38;
	[tilespmem:$0x8080] =	vst v63  }
0x27: {  	p1 =	sge.u32 s31, s5  }
.Ltmp2:
0x28: {  	_ = 	snop;
	(pc) =	sbr.rel @p1 .LBB1_5-.Ltmp2, $1  }
0x29: {  	_ =	sdelay $0x3  }
0x2a: {  	s14 =	simm.s32 $0x1  }
0x2b: {  	_ =	swait.ge [sflag:s4], $0x2000;
	s14 =	simm.s32 @!p0 $0x0  }
0x2c: {  	[sflag:s4] =	ssyncset.done $0x0;
	s15 =	sshll.u32 s14, $0xD  }
0x2d: {  	[sflag:s4] =	ssyncadd.s32 $0xFFFFE000;
	s18 =	sor.u32 $0x20, s15  }
0x2e: {  	s14 =	smul.u32 $0x8100, s14;
	v3 =	vld [tilespmem:s18+$0x10]  }
0x2f: {  	s30 =	sand.u32 $0x1, s11;
	v2 =	vld [tilespmem:s18+$0xFFFFFFF0]  }
0x30: {  	s15 =	smul.u32 $0x8100, s30;
	s14 =	sshrl.u32 s14, $0x2;
	v0 =	vld [tilespmem:s18+$0x0]  }
0x31: {  	v1 =	vld [tilespmem:s18+$0xFFFFFFE0];
	s16 =	sor.u32 $0x4000, s14  }
0x32: {  	s31 =	sshrl.u32 s15, $0x2;
	s15 =	sadd.s32 $0x0, s16  }
0x33: {  	s17 =	simm.s32 $0x4;
	s18 =	sadd.s32 $0x40, s18;
	s14 =	sor.u32 $0x4000, s31;
	[tilespmem:s15+$0x1830 ss:$0x81] =	vst.msk $0xffff, v3  }
.LBB1_3:
0x34: {  	v3 =	vld [tilespmem:s18+$0x10];
	p1 =	sne.s32 s17, $0x1FC;
	[tilespmem:s15+$0x810 ss:$0x81] =	vst.msk $0xffff, v2;
	s19 =	smov.u32 s17;
	s17 =	sadd.s32 $0x4, s17  }
.Ltmp3:
0x35: {  	v2 =	vld [tilespmem:s18+$0xFFFFFFF0];
	[tilespmem:s15+$0x1020 ss:$0x81] =	vst.msk $0xffff, v0;
	(pc) =	sbr.rel @p1 .LBB1_3-.Ltmp3, $4  }
0x36: {  	v0 =	vld [tilespmem:s18+$0x0];
	[tilespmem:s15+$0x0 ss:$0x81] =	vst.msk $0xffff, v1  }
0x37: {  	s15 =	sshra.s32 s19, $0x2;
	v1 =	vld [tilespmem:s18+$0xFFFFFFE0]  }
0x38: {  	s15 =	sadd.s32 s15, s16  }
0x39: {  	s18 =	sadd.s32 $0x40, s18;
	[tilespmem:s15+$0x1830 ss:$0x81] =	vst.msk $0xffff, v3  }
.Ltmp4:
0x3a: {  	_ = 	snop;
	(pc) =	sbr.rel .LBB1_4-.Ltmp4, $1  }
0x3b: {  	_ =	sdelay $0x3  }
.LBB1_6:
0x3c: {  	_ =	sfence.sel $0x180000  }
0x3d: {  	s2 =	simm.s32 $0x1;
	[bflag:$0x0] =	sbarrier.arrive $0xFFFF  }
0x3e: {  	s31 =	simm.s32 $0x2;
	[sflag:s2] =	ssyncpa.u1 $0x1  }
0x3f: {  	[sflag:s31] =	ssyncpa.u1 $0x1  }
0x40: {  	p0 =	sne.s32 s0, $0x0;
	_ =	strace $0x9000004A  }
0x41: {  	s0 =	sadd.s32 @!p0 $0x100000, s1;
	[bflag:$0x2] =	sbarrier.arrive $0xFFFF  }
0x42: {  	[sflag:s0] =	ssyncadd.tile.s32 @!p0 $0x1;
	_ =	shalt  }
.Lfunc_end1:
_tile_overlayer_lowered:
.L_overlay_start_2:
0x43: {  	(tag) =	ssettag $0x2  }
0x44: {  	s0 =	rddreg [dreg:$0x0];
	s2 =	stileid.u32  }
0x45: {  	s1 =	rddreg [dreg:$0x1];
	p0 =	sne.s32 s2, $0x0  }
0x46: {  	s3 =	rddreg [dreg:$0x2];
	[bflag:$0x3] =	sbarrier.arrive $0xFFFF;
	s2 =	simm.s32 @!p0 $0x1C01  }
0x47: {  	[timem:s3], [sflag:s2] =	dma.local @!p0 [hbm:s0], s1  }
0x48: {  	s0 =	simm.s32 @!p0 $0x1  }
0x49: {  	_ =	swait.ge @!p0 [sflag:s0], s1  }
0x4a: {  	s1 =	ssub.s32 @!p0 $0x0, s1;
	[sflag:s0] =	ssyncset.done @!p0 $0x0  }
0x4b: {  	[sflag:s0] =	ssyncadd.s32 @!p0 s1  }
0x4c: {  	[bflag:$0x3] =	sbarrier.arrive $0xFFFF  }
0x4d: {  	_ =	shalt  }

</sc_bundles>
